<compile_context>
chip_gen: v7x
topology: tpu7x:2x2x1
jax: 0.10.2.dev20260603
libtpu: 0.0.44.dev20260713+nightly
codegen_flags: <defaults>
</compile_context>

<pallas_src>
import functools

import jax
import jax.numpy as jnp
from jax import lax
from jax.experimental import pallas as pl
from jax.experimental.pallas import tpu as pltpu
from jax.experimental.pallas import tpu_sc as plsc

B = 16384
D = 128
BLK = 4096
NBLK = B // BLK
NBUF = 7
DEPTH = 6


def _gather3_sc(user, item, time, user_table, item_table, time_table):
    info = plsc.get_sparse_core_info()
    nw = info.num_cores * info.num_subcores
    bpw = B // nw
    chunk = min(bpw, 128)
    mesh = plsc.VectorSubcoreMesh(core_axis_name="c", subcore_axis_name="s")

    @functools.partial(
        pl.kernel,
        mesh=mesh,
        out_type=[
            jax.ShapeDtypeStruct((B, D), jnp.float32),
            jax.ShapeDtypeStruct((B, D), jnp.float32),
            jax.ShapeDtypeStruct((B, D), jnp.float32),
        ],
        scratch_types=[
            pltpu.VMEM((3 * bpw,), jnp.int32),
        ] + [pltpu.VMEM((chunk, D), jnp.float32)] * NBUF
          + [pltpu.SemaphoreType.DMA] * NBUF,
    )
    def gather3(idx_all, u_tbl, i_tbl, t_tbl,
                u_out, i_out, t_out, idx_v, *rest):
        bufs = rest[:NBUF]
        sems = rest[NBUF:]
        wid = lax.axis_index("s") * info.num_cores + lax.axis_index("c")
        base = wid * bpw
        pltpu.sync_copy(idx_all.at[wid], idx_v)
        work = []
        for c in range(bpw // chunk):
            for f, (tbl, out) in enumerate(((u_tbl, u_out),
                                            (i_tbl, i_out),
                                            (t_tbl, t_out))):
                work.append((f, tbl, out, c * chunk))
        n = len(work)
        g_copies = [None] * n
        w_copies = [None] * n

        def g_start(k):
            f, tbl, _, off = work[k]
            g_copies[k] = pltpu.async_copy(
                tbl.at[idx_v.at[pl.ds(f * bpw + off, chunk)]],
                bufs[k % NBUF], sems[k % NBUF])

        for k in range(min(DEPTH, n)):
            g_start(k)
        for k in range(n):
            g_copies[k].wait()
            if k + DEPTH < n:
                if k + DEPTH >= NBUF:
                    w_copies[k + DEPTH - NBUF].wait()
                g_start(k + DEPTH)
            _, _, out, off = work[k]
            w_copies[k] = pltpu.async_copy(
                bufs[k % NBUF], out.at[pl.ds(base + off, chunk)],
                sems[k % NBUF])
        for k in range(max(0, n - NBUF), n):
            w_copies[k].wait()

    idx_all = jnp.stack(
        [user.reshape(nw, bpw), item.reshape(nw, bpw), time.reshape(nw, bpw)],
        axis=1).reshape(nw, 3 * bpw)
    return gather3(idx_all, user_table, item_table, time_table)


def _tc_body(u_ref, i_ref, t_ref, wu_ref, wi_ref, wt_ref, b_ref, o_ref):
    dn = (((1,), (1,)), ((), ()))
    u = lax.dot_general(wu_ref[...], u_ref[...], dn,
                        preferred_element_type=jnp.float32) + b_ref[:, 0:1]
    i = lax.dot_general(wi_ref[...], i_ref[...], dn,
                        preferred_element_type=jnp.float32) + b_ref[:, 1:2]
    t = lax.dot_general(wt_ref[...], t_ref[...], dn,
                        preferred_element_type=jnp.float32) + b_ref[:, 2:3]
    s = jnp.sum(u * i * t, axis=0)
    o_ref[...] = jax.nn.sigmoid(s)


def _compute_tc(u_rows, i_rows, t_rows, Wu, Wi, Wt, bias, interpret=False):
    blk_spec = pl.BlockSpec((BLK, D), lambda i: (i, 0))
    w_spec = pl.BlockSpec((D, D), lambda i: (0, 0))
    b_spec = pl.BlockSpec((D, 3), lambda i: (0, 0))
    out_spec = pl.BlockSpec((BLK,), lambda i: (i,))
    return pl.pallas_call(
        _tc_body,
        grid=(NBLK,),
        in_specs=[blk_spec, blk_spec, blk_spec, w_spec, w_spec, w_spec, b_spec],
        out_specs=out_spec,
        out_shape=jax.ShapeDtypeStruct((B,), jnp.float32),
        interpret=interpret,
    )(u_rows, i_rows, t_rows, Wu, Wi, Wt, bias)


def kernel(user, item, time, user_table, item_table, time_table,
           Wu, bu, Wi, bi, Wt, bt):
    user = user.astype(jnp.int32)
    item = item.astype(jnp.int32)
    time = time.astype(jnp.int32)
    u_rows, i_rows, t_rows = _gather3_sc(
        user, item, time, user_table, item_table, time_table)
    bias = jnp.stack([bu, bi, bt], axis=1)
    return _compute_tc(u_rows, i_rows, t_rows, Wu, Wi, Wt, bias)

# --- scband reference (transcript-rebuilt; emitter-appended) ---
"""Pipeline reference for scband-light-tc-17798344474940 (READ-ONLY COPY).

The authoritative reference and input builder live on the scoring server;
editing this copy changes nothing except your own understanding.
"""

import jax, jax.numpy as jnp
import numpy as np

NUM_USER = 100000
NUM_ITEM = 1000000
NUM_TIME = 1000
DIM = 128
BATCH = 16384


def setup_inputs(seed: int = 0) -> dict:
    key = jax.random.key(seed)
    ks = jax.random.split(key, 12)
    user = jax.random.randint(ks[0], (BATCH,), 0, NUM_USER, dtype=jnp.int64 if jax.config.jax_enable_x64 else jnp.int32)
    item = jax.random.randint(ks[1], (BATCH,), 0, NUM_ITEM, dtype=jnp.int64 if jax.config.jax_enable_x64 else jnp.int32)
    time = jax.random.randint(ks[2], (BATCH,), 0, NUM_TIME, dtype=jnp.int64 if jax.config.jax_enable_x64 else jnp.int32)
    user_table = jax.random.normal(ks[3], (NUM_USER, DIM), dtype=jnp.float32)
    item_table = jax.random.normal(ks[4], (NUM_ITEM, DIM), dtype=jnp.float32)
    time_table = jax.random.normal(ks[5], (NUM_TIME, DIM), dtype=jnp.float32)
    s = 1.0 / np.sqrt(DIM)
    Wu = jax.random.uniform(ks[6], (DIM, DIM), dtype=jnp.float32, minval=-s, maxval=s)
    bu = jax.random.uniform(ks[7], (DIM,), dtype=jnp.float32, minval=-s, maxval=s)
    Wi = jax.random.uniform(ks[8], (DIM, DIM), dtype=jnp.float32, minval=-s, maxval=s)
    bi = jax.random.uniform(ks[9], (DIM,), dtype=jnp.float32, minval=-s, maxval=s)
    Wt = jax.random.uniform(ks[10], (DIM, DIM), dtype=jnp.float32, minval=-s, maxval=s)
    bt = jax.random.uniform(ks[11], (DIM,), dtype=jnp.float32, minval=-s, maxval=s)
    return {"user": user, "item": item, "time": time,
            "user_table": user_table, "item_table": item_table, "time_table": time_table,
            "Wu": Wu, "bu": bu, "Wi": Wi, "bi": bi, "Wt": Wt, "bt": bt}


def reference(user, item, time, user_table, item_table, time_table, Wu, bu, Wi, bi, Wt, bt):
    user_embeds = jnp.take(user_table, user, axis=0)
    item_embeds = jnp.take(item_table, item, axis=0)
    time_embeds = jnp.take(time_table, time, axis=0)
    # torch Linear: y = x @ W.T + b
    time_embeds = time_embeds @ Wt.T + bt
    user_embeds = user_embeds @ Wu.T + bu
    item_embeds = item_embeds @ Wi.T + bi
    pred = jax.nn.sigmoid(jnp.sum(user_embeds * item_embeds * time_embeds, axis=-1))
    return pred

if __name__ == "__main__":
    import jax
    _d = setup_inputs()
    print(jax.jit(kernel)(*tuple(_d.values())))

</pallas_src>

<mosaic_0001>
#map = affine_map<(d0, d1) -> (0, 0)>
module attributes {stable_mosaic.version = 14 : i64} {
  func.func @gather3(%arg0: i32, %arg1: i32, %arg2: memref<32x1536xi32, #tpu.memory_space<hbm>>, %arg3: memref<100000x128xf32, #tpu.memory_space<hbm>>, %arg4: memref<1000000x128xf32, #tpu.memory_space<hbm>>, %arg5: memref<1000x128xf32, #tpu.memory_space<hbm>>, %arg6: memref<16384x128xf32, #tpu.memory_space<hbm>>, %arg7: memref<16384x128xf32, #tpu.memory_space<hbm>>, %arg8: memref<16384x128xf32, #tpu.memory_space<hbm>>, %arg9: memref<1536xi32, #tpu.memory_space<vmem>>, %arg10: memref<128x128xf32, #tpu.memory_space<vmem>>, %arg11: memref<128x128xf32, #tpu.memory_space<vmem>>, %arg12: memref<128x128xf32, #tpu.memory_space<vmem>>, %arg13: memref<128x128xf32, #tpu.memory_space<vmem>>, %arg14: memref<128x128xf32, #tpu.memory_space<vmem>>, %arg15: memref<128x128xf32, #tpu.memory_space<vmem>>, %arg16: memref<128x128xf32, #tpu.memory_space<vmem>>, %arg17: memref<!tpu.dma_semaphore, #tpu.memory_space<semaphore_mem>>, %arg18: memref<!tpu.dma_semaphore, #tpu.memory_space<semaphore_mem>>, %arg19: memref<!tpu.dma_semaphore, #tpu.memory_space<semaphore_mem>>, %arg20: memref<!tpu.dma_semaphore, #tpu.memory_space<semaphore_mem>>, %arg21: memref<!tpu.dma_semaphore, #tpu.memory_space<semaphore_mem>>, %arg22: memref<!tpu.dma_semaphore, #tpu.memory_space<semaphore_mem>>, %arg23: memref<!tpu.dma_semaphore, #tpu.memory_space<semaphore_mem>>) attributes {dimension_semantics = [#tpu.dimension_semantics<core_parallel>, #tpu.dimension_semantics<subcore_parallel>], iteration_bounds = array<i64: 2, 16>, scalar_prefetch = 0 : i64, scratch_operands = 15 : i64, tpu.core_type = #tpu.core_type<sc_vector_subcore>, window_params = [{transform_indices = #map}, {transform_indices = #map}, {transform_indices = #map}, {transform_indices = #map}, {transform_indices = #map}, {transform_indices = #map}, {transform_indices = #map}]} {
    %mul3A = arith.constant 2 : i32
    %mul3A_0 = arith.muli %arg1, %mul3A : i32
    %add3A = arith.addi %mul3A_0, %arg0 : i32
    %mul3A_1 = arith.constant 512 : i32
    %mul3A_2 = arith.muli %add3A, %mul3A_1 : i32
    "tpu.region"() ({
      %run_scoped3A = tpu.sem_alloc : memref<!tpu.dma_semaphore, #tpu.memory_space<semaphore_mem>>
      %dma_start3A_241 = arith.constant 0 : i32
      %dma_start3A_242 = tpu.memref_slice %arg2[%add3A, %dma_start3A_241] : memref<32x1536xi32, #tpu.memory_space<hbm>> -> memref<1x1536xi32, #tpu.memory_space<hbm>>
      %dma_start3A_243 = tpu.memref_squeeze %dma_start3A_242 : memref<1x1536xi32, #tpu.memory_space<hbm>> -> memref<1536xi32, #tpu.memory_space<hbm>>
      %dma_start3A_244 = arith.constant 0 : i32
      %dma_start3A_245 = tpu.memref_slice %arg2[%add3A, %dma_start3A_244] : memref<32x1536xi32, #tpu.memory_space<hbm>> -> memref<1x1536xi32, #tpu.memory_space<hbm>>
      %dma_start3A_246 = tpu.memref_squeeze %dma_start3A_245 : memref<1x1536xi32, #tpu.memory_space<hbm>> -> memref<1536xi32, #tpu.memory_space<hbm>>
      tpu.enqueue_dma source(%dma_start3A_246 : memref<1536xi32, #tpu.memory_space<hbm>>) target(%arg9 : memref<1536xi32, #tpu.memory_space<vmem>>) target_semaphore(%run_scoped3A : memref<!tpu.dma_semaphore, #tpu.memory_space<semaphore_mem>>)
      %dma_wait3A_247 = arith.constant 0 : i32
      %dma_wait3A_248 = tpu.memref_slice %arg2[%add3A, %dma_wait3A_247] : memref<32x1536xi32, #tpu.memory_space<hbm>> -> memref<1x1536xi32, #tpu.memory_space<hbm>>
      %dma_wait3A_249 = tpu.memref_squeeze %dma_wait3A_248 : memref<1x1536xi32, #tpu.memory_space<hbm>> -> memref<1536xi32, #tpu.memory_space<hbm>>
      %dma_wait3A_250 = arith.constant 0 : i32
      %dma_wait3A_251 = tpu.memref_slice %arg2[%add3A, %dma_wait3A_250] : memref<32x1536xi32, #tpu.memory_space<hbm>> -> memref<1x1536xi32, #tpu.memory_space<hbm>>
      %dma_wait3A_252 = tpu.memref_squeeze %dma_wait3A_251 : memref<1x1536xi32, #tpu.memory_space<hbm>> -> memref<1536xi32, #tpu.memory_space<hbm>>
      tpu.wait_dma2 semaphore(%run_scoped3A : memref<!tpu.dma_semaphore, #tpu.memory_space<semaphore_mem>>) src(%dma_wait3A_252 : memref<1536xi32, #tpu.memory_space<hbm>>) dst(%arg9 : memref<1536xi32, #tpu.memory_space<vmem>>)
      tpu.yield
    }) : () -> ()
    %dma_start3A = arith.constant 0 : i32
    %dma_start3A_3 = tpu.memref_slice %arg9[%dma_start3A] : memref<1536xi32, #tpu.memory_space<vmem>> -> memref<128xi32, #tpu.memory_space<vmem>>
    %dma_start3A_4 = arith.constant 0 : i32
    %dma_start3A_5 = arith.constant 0 : i32
    %dma_start3A_6 = tpu.memref_slice %arg3[%dma_start3A_4, %dma_start3A_5] : memref<100000x128xf32, #tpu.memory_space<hbm>> -> memref<100000x128xf32, #tpu.memory_space<hbm>>
    tpu.enqueue_indirect_dma source(%dma_start3A_6 : memref<100000x128xf32, #tpu.memory_space<hbm>>) target(%arg10 : memref<128x128xf32, #tpu.memory_space<vmem>>) offsets(%dma_start3A_3 : memref<128xi32, #tpu.memory_space<vmem>>) semaphore(%arg17 : memref<!tpu.dma_semaphore, #tpu.memory_space<semaphore_mem>>)
    %dma_start3A_7 = arith.constant 512 : i32
    %dma_start3A_8 = tpu.memref_slice %arg9[%dma_start3A_7] : memref<1536xi32, #tpu.memory_space<vmem>> -> memref<128xi32, #tpu.memory_space<vmem>>
    %dma_start3A_9 = arith.constant 0 : i32
    %dma_start3A_10 = arith.constant 0 : i32
    %dma_start3A_11 = tpu.memref_slice %arg4[%dma_start3A_9, %dma_start3A_10] : memref<1000000x128xf32, #tpu.memory_space<hbm>> -> memref<1000000x128xf32, #tpu.memory_space<hbm>>
    tpu.enqueue_indirect_dma source(%dma_start3A_11 : memref<1000000x128xf32, #tpu.memory_space<hbm>>) target(%arg11 : memref<128x128xf32, #tpu.memory_space<vmem>>) offsets(%dma_start3A_8 : memref<128xi32, #tpu.memory_space<vmem>>) semaphore(%arg18 : memref<!tpu.dma_semaphore, #tpu.memory_space<semaphore_mem>>)
    %dma_start3A_12 = arith.constant 1024 : i32
    %dma_start3A_13 = tpu.memref_slice %arg9[%dma_start3A_12] : memref<1536xi32, #tpu.memory_space<vmem>> -> memref<128xi32, #tpu.memory_space<vmem>>
    %dma_start3A_14 = arith.constant 0 : i32
    %dma_start3A_15 = arith.constant 0 : i32
    %dma_start3A_16 = tpu.memref_slice %arg5[%dma_start3A_14, %dma_start3A_15] : memref<1000x128xf32, #tpu.memory_space<hbm>> -> memref<1000x128xf32, #tpu.memory_space<hbm>>
    tpu.enqueue_indirect_dma source(%dma_start3A_16 : memref<1000x128xf32, #tpu.memory_space<hbm>>) target(%arg12 : memref<128x128xf32, #tpu.memory_space<vmem>>) offsets(%dma_start3A_13 : memref<128xi32, #tpu.memory_space<vmem>>) semaphore(%arg19 : memref<!tpu.dma_semaphore, #tpu.memory_space<semaphore_mem>>)
    %dma_start3A_17 = arith.constant 128 : i32
    %dma_start3A_18 = tpu.memref_slice %arg9[%dma_start3A_17] : memref<1536xi32, #tpu.memory_space<vmem>> -> memref<128xi32, #tpu.memory_space<vmem>>
    %dma_start3A_19 = arith.constant 0 : i32
    %dma_start3A_20 = arith.constant 0 : i32
    %dma_start3A_21 = tpu.memref_slice %arg3[%dma_start3A_19, %dma_start3A_20] : memref<100000x128xf32, #tpu.memory_space<hbm>> -> memref<100000x128xf32, #tpu.memory_space<hbm>>
    tpu.enqueue_indirect_dma source(%dma_start3A_21 : memref<100000x128xf32, #tpu.memory_space<hbm>>) target(%arg13 : memref<128x128xf32, #tpu.memory_space<vmem>>) offsets(%dma_start3A_18 : memref<128xi32, #tpu.memory_space<vmem>>) semaphore(%arg20 : memref<!tpu.dma_semaphore, #tpu.memory_space<semaphore_mem>>)
    %dma_start3A_22 = arith.constant 640 : i32
    %dma_start3A_23 = tpu.memref_slice %arg9[%dma_start3A_22] : memref<1536xi32, #tpu.memory_space<vmem>> -> memref<128xi32, #tpu.memory_space<vmem>>
    %dma_start3A_24 = arith.constant 0 : i32
    %dma_start3A_25 = arith.constant 0 : i32
    %dma_start3A_26 = tpu.memref_slice %arg4[%dma_start3A_24, %dma_start3A_25] : memref<1000000x128xf32, #tpu.memory_space<hbm>> -> memref<1000000x128xf32, #tpu.memory_space<hbm>>
    tpu.enqueue_indirect_dma source(%dma_start3A_26 : memref<1000000x128xf32, #tpu.memory_space<hbm>>) target(%arg14 : memref<128x128xf32, #tpu.memory_space<vmem>>) offsets(%dma_start3A_23 : memref<128xi32, #tpu.memory_space<vmem>>) semaphore(%arg21 : memref<!tpu.dma_semaphore, #tpu.memory_space<semaphore_mem>>)
    %dma_start3A_27 = arith.constant 1152 : i32
    %dma_start3A_28 = tpu.memref_slice %arg9[%dma_start3A_27] : memref<1536xi32, #tpu.memory_space<vmem>> -> memref<128xi32, #tpu.memory_space<vmem>>
    %dma_start3A_29 = arith.constant 0 : i32
    %dma_start3A_30 = arith.constant 0 : i32
    %dma_start3A_31 = tpu.memref_slice %arg5[%dma_start3A_29, %dma_start3A_30] : memref<1000x128xf32, #tpu.memory_space<hbm>> -> memref<1000x128xf32, #tpu.memory_space<hbm>>
    tpu.enqueue_indirect_dma source(%dma_start3A_31 : memref<1000x128xf32, #tpu.memory_space<hbm>>) target(%arg15 : memref<128x128xf32, #tpu.memory_space<vmem>>) offsets(%dma_start3A_28 : memref<128xi32, #tpu.memory_space<vmem>>) semaphore(%arg22 : memref<!tpu.dma_semaphore, #tpu.memory_space<semaphore_mem>>)
    %dma_wait3A = arith.constant 0 : i32
    %dma_wait3A_32 = tpu.memref_slice %arg9[%dma_wait3A] : memref<1536xi32, #tpu.memory_space<vmem>> -> memref<128xi32, #tpu.memory_space<vmem>>
    %dma_wait3A_33 = arith.constant 0 : i32
    %dma_wait3A_34 = arith.constant 0 : i32
    %dma_wait3A_35 = tpu.memref_slice %arg3[%dma_wait3A_33, %dma_wait3A_34] : memref<100000x128xf32, #tpu.memory_space<hbm>> -> memref<100000x128xf32, #tpu.memory_space<hbm>>
    tpu.wait_indirect_dma semaphore(%arg17 : memref<!tpu.dma_semaphore, #tpu.memory_space<semaphore_mem>>) src(%dma_wait3A_35 : memref<100000x128xf32, #tpu.memory_space<hbm>>) dst(%arg10 : memref<128x128xf32, #tpu.memory_space<vmem>>)
    %dma_start3A_36 = arith.constant 256 : i32
    %dma_start3A_37 = tpu.memref_slice %arg9[%dma_start3A_36] : memref<1536xi32, #tpu.memory_space<vmem>> -> memref<128xi32, #tpu.memory_space<vmem>>
    %dma_start3A_38 = arith.constant 0 : i32
    %dma_start3A_39 = arith.constant 0 : i32
    %dma_start3A_40 = tpu.memref_slice %arg3[%dma_start3A_38, %dma_start3A_39] : memref<100000x128xf32, #tpu.memory_space<hbm>> -> memref<100000x128xf32, #tpu.memory_space<hbm>>
    tpu.enqueue_indirect_dma source(%dma_start3A_40 : memref<100000x128xf32, #tpu.memory_space<hbm>>) target(%arg16 : memref<128x128xf32, #tpu.memory_space<vmem>>) offsets(%dma_start3A_37 : memref<128xi32, #tpu.memory_space<vmem>>) semaphore(%arg23 : memref<!tpu.dma_semaphore, #tpu.memory_space<semaphore_mem>>)
    %add3A_41 = arith.constant 0 : i32
    %add3A_42 = arith.addi %mul3A_2, %add3A_41 : i32
    %dma_start3A_43 = arith.constant 0 : i32
    %dma_start3A_44 = tpu.memref_slice %arg6[%add3A_42, %dma_start3A_43] : memref<16384x128xf32, #tpu.memory_space<hbm>> -> memref<128x128xf32, #tpu.memory_space<hbm>>
    %dma_start3A_45 = arith.constant 0 : i32
    %dma_start3A_46 = tpu.memref_slice %arg6[%add3A_42, %dma_start3A_45] : memref<16384x128xf32, #tpu.memory_space<hbm>> -> memref<128x128xf32, #tpu.memory_space<hbm>>
    tpu.enqueue_dma source(%arg10 : memref<128x128xf32, #tpu.memory_space<vmem>>) target(%dma_start3A_46 : memref<128x128xf32, #tpu.memory_space<hbm>>) target_semaphore(%arg17 : memref<!tpu.dma_semaphore, #tpu.memory_space<semaphore_mem>>)
    %dma_wait3A_47 = arith.constant 512 : i32
    %dma_wait3A_48 = tpu.memref_slice %arg9[%dma_wait3A_47] : memref<1536xi32, #tpu.memory_space<vmem>> -> memref<128xi32, #tpu.memory_space<vmem>>
    %dma_wait3A_49 = arith.constant 0 : i32
    %dma_wait3A_50 = arith.constant 0 : i32
    %dma_wait3A_51 = tpu.memref_slice %arg4[%dma_wait3A_49, %dma_wait3A_50] : memref<1000000x128xf32, #tpu.memory_space<hbm>> -> memref<1000000x128xf32, #tpu.memory_space<hbm>>
    tpu.wait_indirect_dma semaphore(%arg18 : memref<!tpu.dma_semaphore, #tpu.memory_space<semaphore_mem>>) src(%dma_wait3A_51 : memref<1000000x128xf32, #tpu.memory_space<hbm>>) dst(%arg11 : memref<128x128xf32, #tpu.memory_space<vmem>>)
    %dma_wait3A_52 = arith.constant 0 : i32
    %dma_wait3A_53 = tpu.memref_slice %arg6[%add3A_42, %dma_wait3A_52] : memref<16384x128xf32, #tpu.memory_space<hbm>> -> memref<128x128xf32, #tpu.memory_space<hbm>>
    %dma_wait3A_54 = arith.constant 0 : i32
    %dma_wait3A_55 = tpu.memref_slice %arg6[%add3A_42, %dma_wait3A_54] : memref<16384x128xf32, #tpu.memory_space<hbm>> -> memref<128x128xf32, #tpu.memory_space<hbm>>
    tpu.wait_dma2 semaphore(%arg17 : memref<!tpu.dma_semaphore, #tpu.memory_space<semaphore_mem>>) src(%arg10 : memref<128x128xf32, #tpu.memory_space<vmem>>) dst(%dma_wait3A_55 : memref<128x128xf32, #tpu.memory_space<hbm>>)
    %dma_start3A_56 = arith.constant 768 : i32
    %dma_start3A_57 = tpu.memref_slice %arg9[%dma_start3A_56] : memref<1536xi32, #tpu.memory_space<vmem>> -> memref<128xi32, #tpu.memory_space<vmem>>
    %dma_start3A_58 = arith.constant 0 : i32
    %dma_start3A_59 = arith.constant 0 : i32
    %dma_start3A_60 = tpu.memref_slice %arg4[%dma_start3A_58, %dma_start3A_59] : memref<1000000x128xf32, #tpu.memory_space<hbm>> -> memref<1000000x128xf32, #tpu.memory_space<hbm>>
    tpu.enqueue_indirect_dma source(%dma_start3A_60 : memref<1000000x128xf32, #tpu.memory_space<hbm>>) target(%arg10 : memref<128x128xf32, #tpu.memory_space<vmem>>) offsets(%dma_start3A_57 : memref<128xi32, #tpu.memory_space<vmem>>) semaphore(%arg17 : memref<!tpu.dma_semaphore, #tpu.memory_space<semaphore_mem>>)
    %add3A_61 = arith.constant 0 : i32
    %add3A_62 = arith.addi %mul3A_2, %add3A_61 : i32
    %dma_start3A_63 = arith.constant 0 : i32
    %dma_start3A_64 = tpu.memref_slice %arg7[%add3A_62, %dma_start3A_63] : memref<16384x128xf32, #tpu.memory_space<hbm>> -> memref<128x128xf32, #tpu.memory_space<hbm>>
    %dma_start3A_65 = arith.constant 0 : i32
    %dma_start3A_66 = tpu.memref_slice %arg7[%add3A_62, %dma_start3A_65] : memref<16384x128xf32, #tpu.memory_space<hbm>> -> memref<128x128xf32, #tpu.memory_space<hbm>>
    tpu.enqueue_dma source(%arg11 : memref<128x128xf32, #tpu.memory_space<vmem>>) target(%dma_start3A_66 : memref<128x128xf32, #tpu.memory_space<hbm>>) target_semaphore(%arg18 : memref<!tpu.dma_semaphore, #tpu.memory_space<semaphore_mem>>)
    %dma_wait3A_67 = arith.constant 1024 : i32
    %dma_wait3A_68 = tpu.memref_slice %arg9[%dma_wait3A_67] : memref<1536xi32, #tpu.memory_space<vmem>> -> memref<128xi32, #tpu.memory_space<vmem>>
    %dma_wait3A_69 = arith.constant 0 : i32
    %dma_wait3A_70 = arith.constant 0 : i32
    %dma_wait3A_71 = tpu.memref_slice %arg5[%dma_wait3A_69, %dma_wait3A_70] : memref<1000x128xf32, #tpu.memory_space<hbm>> -> memref<1000x128xf32, #tpu.memory_space<hbm>>
    tpu.wait_indirect_dma semaphore(%arg19 : memref<!tpu.dma_semaphore, #tpu.memory_space<semaphore_mem>>) src(%dma_wait3A_71 : memref<1000x128xf32, #tpu.memory_space<hbm>>) dst(%arg12 : memref<128x128xf32, #tpu.memory_space<vmem>>)
    %dma_wait3A_72 = arith.constant 0 : i32
    %dma_wait3A_73 = tpu.memref_slice %arg7[%add3A_62, %dma_wait3A_72] : memref<16384x128xf32, #tpu.memory_space<hbm>> -> memref<128x128xf32, #tpu.memory_space<hbm>>
    %dma_wait3A_74 = arith.constant 0 : i32
    %dma_wait3A_75 = tpu.memref_slice %arg7[%add3A_62, %dma_wait3A_74] : memref<16384x128xf32, #tpu.memory_space<hbm>> -> memref<128x128xf32, #tpu.memory_space<hbm>>
    tpu.wait_dma2 semaphore(%arg18 : memref<!tpu.dma_semaphore, #tpu.memory_space<semaphore_mem>>) src(%arg11 : memref<128x128xf32, #tpu.memory_space<vmem>>) dst(%dma_wait3A_75 : memref<128x128xf32, #tpu.memory_space<hbm>>)
    %dma_start3A_76 = arith.constant 1280 : i32
    %dma_start3A_77 = tpu.memref_slice %arg9[%dma_start3A_76] : memref<1536xi32, #tpu.memory_space<vmem>> -> memref<128xi32, #tpu.memory_space<vmem>>
    %dma_start3A_78 = arith.constant 0 : i32
    %dma_start3A_79 = arith.constant 0 : i32
    %dma_start3A_80 = tpu.memref_slice %arg5[%dma_start3A_78, %dma_start3A_79] : memref<1000x128xf32, #tpu.memory_space<hbm>> -> memref<1000x128xf32, #tpu.memory_space<hbm>>
    tpu.enqueue_indirect_dma source(%dma_start3A_80 : memref<1000x128xf32, #tpu.memory_space<hbm>>) target(%arg11 : memref<128x128xf32, #tpu.memory_space<vmem>>) offsets(%dma_start3A_77 : memref<128xi32, #tpu.memory_space<vmem>>) semaphore(%arg18 : memref<!tpu.dma_semaphore, #tpu.memory_space<semaphore_mem>>)
    %add3A_81 = arith.constant 0 : i32
    %add3A_82 = arith.addi %mul3A_2, %add3A_81 : i32
    %dma_start3A_83 = arith.constant 0 : i32
    %dma_start3A_84 = tpu.memref_slice %arg8[%add3A_82, %dma_start3A_83] : memref<16384x128xf32, #tpu.memory_space<hbm>> -> memref<128x128xf32, #tpu.memory_space<hbm>>
    %dma_start3A_85 = arith.constant 0 : i32
    %dma_start3A_86 = tpu.memref_slice %arg8[%add3A_82, %dma_start3A_85] : memref<16384x128xf32, #tpu.memory_space<hbm>> -> memref<128x128xf32, #tpu.memory_space<hbm>>
    tpu.enqueue_dma source(%arg12 : memref<128x128xf32, #tpu.memory_space<vmem>>) target(%dma_start3A_86 : memref<128x128xf32, #tpu.memory_space<hbm>>) target_semaphore(%arg19 : memref<!tpu.dma_semaphore, #tpu.memory_space<semaphore_mem>>)
    %dma_wait3A_87 = arith.constant 128 : i32
    %dma_wait3A_88 = tpu.memref_slice %arg9[%dma_wait3A_87] : memref<1536xi32, #tpu.memory_space<vmem>> -> memref<128xi32, #tpu.memory_space<vmem>>
    %dma_wait3A_89 = arith.constant 0 : i32
    %dma_wait3A_90 = arith.constant 0 : i32
    %dma_wait3A_91 = tpu.memref_slice %arg3[%dma_wait3A_89, %dma_wait3A_90] : memref<100000x128xf32, #tpu.memory_space<hbm>> -> memref<100000x128xf32, #tpu.memory_space<hbm>>
    tpu.wait_indirect_dma semaphore(%arg20 : memref<!tpu.dma_semaphore, #tpu.memory_space<semaphore_mem>>) src(%dma_wait3A_91 : memref<100000x128xf32, #tpu.memory_space<hbm>>) dst(%arg13 : memref<128x128xf32, #tpu.memory_space<vmem>>)
    %dma_wait3A_92 = arith.constant 0 : i32
    %dma_wait3A_93 = tpu.memref_slice %arg8[%add3A_82, %dma_wait3A_92] : memref<16384x128xf32, #tpu.memory_space<hbm>> -> memref<128x128xf32, #tpu.memory_space<hbm>>
    %dma_wait3A_94 = arith.constant 0 : i32
    %dma_wait3A_95 = tpu.memref_slice %arg8[%add3A_82, %dma_wait3A_94] : memref<16384x128xf32, #tpu.memory_space<hbm>> -> memref<128x128xf32, #tpu.memory_space<hbm>>
    tpu.wait_dma2 semaphore(%arg19 : memref<!tpu.dma_semaphore, #tpu.memory_space<semaphore_mem>>) src(%arg12 : memref<128x128xf32, #tpu.memory_space<vmem>>) dst(%dma_wait3A_95 : memref<128x128xf32, #tpu.memory_space<hbm>>)
    %dma_start3A_96 = arith.constant 384 : i32
    %dma_start3A_97 = tpu.memref_slice %arg9[%dma_start3A_96] : memref<1536xi32, #tpu.memory_space<vmem>> -> memref<128xi32, #tpu.memory_space<vmem>>
    %dma_start3A_98 = arith.constant 0 : i32
    %dma_start3A_99 = arith.constant 0 : i32
    %dma_start3A_100 = tpu.memref_slice %arg3[%dma_start3A_98, %dma_start3A_99] : memref<100000x128xf32, #tpu.memory_space<hbm>> -> memref<100000x128xf32, #tpu.memory_space<hbm>>
    tpu.enqueue_indirect_dma source(%dma_start3A_100 : memref<100000x128xf32, #tpu.memory_space<hbm>>) target(%arg12 : memref<128x128xf32, #tpu.memory_space<vmem>>) offsets(%dma_start3A_97 : memref<128xi32, #tpu.memory_space<vmem>>) semaphore(%arg19 : memref<!tpu.dma_semaphore, #tpu.memory_space<semaphore_mem>>)
    %add3A_101 = arith.constant 128 : i32
    %add3A_102 = arith.addi %mul3A_2, %add3A_101 : i32
    %dma_start3A_103 = arith.constant 0 : i32
    %dma_start3A_104 = tpu.memref_slice %arg6[%add3A_102, %dma_start3A_103] : memref<16384x128xf32, #tpu.memory_space<hbm>> -> memref<128x128xf32, #tpu.memory_space<hbm>>
    %dma_start3A_105 = arith.constant 0 : i32
    %dma_start3A_106 = tpu.memref_slice %arg6[%add3A_102, %dma_start3A_105] : memref<16384x128xf32, #tpu.memory_space<hbm>> -> memref<128x128xf32, #tpu.memory_space<hbm>>
    tpu.enqueue_dma source(%arg13 : memref<128x128xf32, #tpu.memory_space<vmem>>) target(%dma_start3A_106 : memref<128x128xf32, #tpu.memory_space<hbm>>) target_semaphore(%arg20 : memref<!tpu.dma_semaphore, #tpu.memory_space<semaphore_mem>>)
    %dma_wait3A_107 = arith.constant 640 : i32
    %dma_wait3A_108 = tpu.memref_slice %arg9[%dma_wait3A_107] : memref<1536xi32, #tpu.memory_space<vmem>> -> memref<128xi32, #tpu.memory_space<vmem>>
    %dma_wait3A_109 = arith.constant 0 : i32
    %dma_wait3A_110 = arith.constant 0 : i32
    %dma_wait3A_111 = tpu.memref_slice %arg4[%dma_wait3A_109, %dma_wait3A_110] : memref<1000000x128xf32, #tpu.memory_space<hbm>> -> memref<1000000x128xf32, #tpu.memory_space<hbm>>
    tpu.wait_indirect_dma semaphore(%arg21 : memref<!tpu.dma_semaphore, #tpu.memory_space<semaphore_mem>>) src(%dma_wait3A_111 : memref<1000000x128xf32, #tpu.memory_space<hbm>>) dst(%arg14 : memref<128x128xf32, #tpu.memory_space<vmem>>)
    %dma_wait3A_112 = arith.constant 0 : i32
    %dma_wait3A_113 = tpu.memref_slice %arg6[%add3A_102, %dma_wait3A_112] : memref<16384x128xf32, #tpu.memory_space<hbm>> -> memref<128x128xf32, #tpu.memory_space<hbm>>
    %dma_wait3A_114 = arith.constant 0 : i32
    %dma_wait3A_115 = tpu.memref_slice %arg6[%add3A_102, %dma_wait3A_114] : memref<16384x128xf32, #tpu.memory_space<hbm>> -> memref<128x128xf32, #tpu.memory_space<hbm>>
    tpu.wait_dma2 semaphore(%arg20 : memref<!tpu.dma_semaphore, #tpu.memory_space<semaphore_mem>>) src(%arg13 : memref<128x128xf32, #tpu.memory_space<vmem>>) dst(%dma_wait3A_115 : memref<128x128xf32, #tpu.memory_space<hbm>>)
    %dma_start3A_116 = arith.constant 896 : i32
    %dma_start3A_117 = tpu.memref_slice %arg9[%dma_start3A_116] : memref<1536xi32, #tpu.memory_space<vmem>> -> memref<128xi32, #tpu.memory_space<vmem>>
    %dma_start3A_118 = arith.constant 0 : i32
    %dma_start3A_119 = arith.constant 0 : i32
    %dma_start3A_120 = tpu.memref_slice %arg4[%dma_start3A_118, %dma_start3A_119] : memref<1000000x128xf32, #tpu.memory_space<hbm>> -> memref<1000000x128xf32, #tpu.memory_space<hbm>>
    tpu.enqueue_indirect_dma source(%dma_start3A_120 : memref<1000000x128xf32, #tpu.memory_space<hbm>>) target(%arg13 : memref<128x128xf32, #tpu.memory_space<vmem>>) offsets(%dma_start3A_117 : memref<128xi32, #tpu.memory_space<vmem>>) semaphore(%arg20 : memref<!tpu.dma_semaphore, #tpu.memory_space<semaphore_mem>>)
    %add3A_121 = arith.constant 128 : i32
    %add3A_122 = arith.addi %mul3A_2, %add3A_121 : i32
    %dma_start3A_123 = arith.constant 0 : i32
    %dma_start3A_124 = tpu.memref_slice %arg7[%add3A_122, %dma_start3A_123] : memref<16384x128xf32, #tpu.memory_space<hbm>> -> memref<128x128xf32, #tpu.memory_space<hbm>>
    %dma_start3A_125 = arith.constant 0 : i32
    %dma_start3A_126 = tpu.memref_slice %arg7[%add3A_122, %dma_start3A_125] : memref<16384x128xf32, #tpu.memory_space<hbm>> -> memref<128x128xf32, #tpu.memory_space<hbm>>
    tpu.enqueue_dma source(%arg14 : memref<128x128xf32, #tpu.memory_space<vmem>>) target(%dma_start3A_126 : memref<128x128xf32, #tpu.memory_space<hbm>>) target_semaphore(%arg21 : memref<!tpu.dma_semaphore, #tpu.memory_space<semaphore_mem>>)
    %dma_wait3A_127 = arith.constant 1152 : i32
    %dma_wait3A_128 = tpu.memref_slice %arg9[%dma_wait3A_127] : memref<1536xi32, #tpu.memory_space<vmem>> -> memref<128xi32, #tpu.memory_space<vmem>>
    %dma_wait3A_129 = arith.constant 0 : i32
    %dma_wait3A_130 = arith.constant 0 : i32
    %dma_wait3A_131 = tpu.memref_slice %arg5[%dma_wait3A_129, %dma_wait3A_130] : memref<1000x128xf32, #tpu.memory_space<hbm>> -> memref<1000x128xf32, #tpu.memory_space<hbm>>
    tpu.wait_indirect_dma semaphore(%arg22 : memref<!tpu.dma_semaphore, #tpu.memory_space<semaphore_mem>>) src(%dma_wait3A_131 : memref<1000x128xf32, #tpu.memory_space<hbm>>) dst(%arg15 : memref<128x128xf32, #tpu.memory_space<vmem>>)
    %dma_wait3A_132 = arith.constant 0 : i32
    %dma_wait3A_133 = tpu.memref_slice %arg7[%add3A_122, %dma_wait3A_132] : memref<16384x128xf32, #tpu.memory_space<hbm>> -> memref<128x128xf32, #tpu.memory_space<hbm>>
    %dma_wait3A_134 = arith.constant 0 : i32
    %dma_wait3A_135 = tpu.memref_slice %arg7[%add3A_122, %dma_wait3A_134] : memref<16384x128xf32, #tpu.memory_space<hbm>> -> memref<128x128xf32, #tpu.memory_space<hbm>>
    tpu.wait_dma2 semaphore(%arg21 : memref<!tpu.dma_semaphore, #tpu.memory_space<semaphore_mem>>) src(%arg14 : memref<128x128xf32, #tpu.memory_space<vmem>>) dst(%dma_wait3A_135 : memref<128x128xf32, #tpu.memory_space<hbm>>)
    %dma_start3A_136 = arith.constant 1408 : i32
    %dma_start3A_137 = tpu.memref_slice %arg9[%dma_start3A_136] : memref<1536xi32, #tpu.memory_space<vmem>> -> memref<128xi32, #tpu.memory_space<vmem>>
    %dma_start3A_138 = arith.constant 0 : i32
    %dma_start3A_139 = arith.constant 0 : i32
    %dma_start3A_140 = tpu.memref_slice %arg5[%dma_start3A_138, %dma_start3A_139] : memref<1000x128xf32, #tpu.memory_space<hbm>> -> memref<1000x128xf32, #tpu.memory_space<hbm>>
    tpu.enqueue_indirect_dma source(%dma_start3A_140 : memref<1000x128xf32, #tpu.memory_space<hbm>>) target(%arg14 : memref<128x128xf32, #tpu.memory_space<vmem>>) offsets(%dma_start3A_137 : memref<128xi32, #tpu.memory_space<vmem>>) semaphore(%arg21 : memref<!tpu.dma_semaphore, #tpu.memory_space<semaphore_mem>>)
    %add3A_141 = arith.constant 128 : i32
    %add3A_142 = arith.addi %mul3A_2, %add3A_141 : i32
    %dma_start3A_143 = arith.constant 0 : i32
    %dma_start3A_144 = tpu.memref_slice %arg8[%add3A_142, %dma_start3A_143] : memref<16384x128xf32, #tpu.memory_space<hbm>> -> memref<128x128xf32, #tpu.memory_space<hbm>>
    %dma_start3A_145 = arith.constant 0 : i32
    %dma_start3A_146 = tpu.memref_slice %arg8[%add3A_142, %dma_start3A_145] : memref<16384x128xf32, #tpu.memory_space<hbm>> -> memref<128x128xf32, #tpu.memory_space<hbm>>
    tpu.enqueue_dma source(%arg15 : memref<128x128xf32, #tpu.memory_space<vmem>>) target(%dma_start3A_146 : memref<128x128xf32, #tpu.memory_space<hbm>>) target_semaphore(%arg22 : memref<!tpu.dma_semaphore, #tpu.memory_space<semaphore_mem>>)
    %dma_wait3A_147 = arith.constant 256 : i32
    %dma_wait3A_148 = tpu.memref_slice %arg9[%dma_wait3A_147] : memref<1536xi32, #tpu.memory_space<vmem>> -> memref<128xi32, #tpu.memory_space<vmem>>
    %dma_wait3A_149 = arith.constant 0 : i32
    %dma_wait3A_150 = arith.constant 0 : i32
    %dma_wait3A_151 = tpu.memref_slice %arg3[%dma_wait3A_149, %dma_wait3A_150] : memref<100000x128xf32, #tpu.memory_space<hbm>> -> memref<100000x128xf32, #tpu.memory_space<hbm>>
    tpu.wait_indirect_dma semaphore(%arg23 : memref<!tpu.dma_semaphore, #tpu.memory_space<semaphore_mem>>) src(%dma_wait3A_151 : memref<100000x128xf32, #tpu.memory_space<hbm>>) dst(%arg16 : memref<128x128xf32, #tpu.memory_space<vmem>>)
    %add3A_152 = arith.constant 256 : i32
    %add3A_153 = arith.addi %mul3A_2, %add3A_152 : i32
    %dma_start3A_154 = arith.constant 0 : i32
    %dma_start3A_155 = tpu.memref_slice %arg6[%add3A_153, %dma_start3A_154] : memref<16384x128xf32, #tpu.memory_space<hbm>> -> memref<128x128xf32, #tpu.memory_space<hbm>>
    %dma_start3A_156 = arith.constant 0 : i32
    %dma_start3A_157 = tpu.memref_slice %arg6[%add3A_153, %dma_start3A_156] : memref<16384x128xf32, #tpu.memory_space<hbm>> -> memref<128x128xf32, #tpu.memory_space<hbm>>
    tpu.enqueue_dma source(%arg16 : memref<128x128xf32, #tpu.memory_space<vmem>>) target(%dma_start3A_157 : memref<128x128xf32, #tpu.memory_space<hbm>>) target_semaphore(%arg23 : memref<!tpu.dma_semaphore, #tpu.memory_space<semaphore_mem>>)
    %dma_wait3A_158 = arith.constant 768 : i32
    %dma_wait3A_159 = tpu.memref_slice %arg9[%dma_wait3A_158] : memref<1536xi32, #tpu.memory_space<vmem>> -> memref<128xi32, #tpu.memory_space<vmem>>
    %dma_wait3A_160 = arith.constant 0 : i32
    %dma_wait3A_161 = arith.constant 0 : i32
    %dma_wait3A_162 = tpu.memref_slice %arg4[%dma_wait3A_160, %dma_wait3A_161] : memref<1000000x128xf32, #tpu.memory_space<hbm>> -> memref<1000000x128xf32, #tpu.memory_space<hbm>>
    tpu.wait_indirect_dma semaphore(%arg17 : memref<!tpu.dma_semaphore, #tpu.memory_space<semaphore_mem>>) src(%dma_wait3A_162 : memref<1000000x128xf32, #tpu.memory_space<hbm>>) dst(%arg10 : memref<128x128xf32, #tpu.memory_space<vmem>>)
    %add3A_163 = arith.constant 256 : i32
    %add3A_164 = arith.addi %mul3A_2, %add3A_163 : i32
    %dma_start3A_165 = arith.constant 0 : i32
    %dma_start3A_166 = tpu.memref_slice %arg7[%add3A_164, %dma_start3A_165] : memref<16384x128xf32, #tpu.memory_space<hbm>> -> memref<128x128xf32, #tpu.memory_space<hbm>>
    %dma_start3A_167 = arith.constant 0 : i32
    %dma_start3A_168 = tpu.memref_slice %arg7[%add3A_164, %dma_start3A_167] : memref<16384x128xf32, #tpu.memory_space<hbm>> -> memref<128x128xf32, #tpu.memory_space<hbm>>
    tpu.enqueue_dma source(%arg10 : memref<128x128xf32, #tpu.memory_space<vmem>>) target(%dma_start3A_168 : memref<128x128xf32, #tpu.memory_space<hbm>>) target_semaphore(%arg17 : memref<!tpu.dma_semaphore, #tpu.memory_space<semaphore_mem>>)
    %dma_wait3A_169 = arith.constant 1280 : i32
    %dma_wait3A_170 = tpu.memref_slice %arg9[%dma_wait3A_169] : memref<1536xi32, #tpu.memory_space<vmem>> -> memref<128xi32, #tpu.memory_space<vmem>>
    %dma_wait3A_171 = arith.constant 0 : i32
    %dma_wait3A_172 = arith.constant 0 : i32
    %dma_wait3A_173 = tpu.memref_slice %arg5[%dma_wait3A_171, %dma_wait3A_172] : memref<1000x128xf32, #tpu.memory_space<hbm>> -> memref<1000x128xf32, #tpu.memory_space<hbm>>
    tpu.wait_indirect_dma semaphore(%arg18 : memref<!tpu.dma_semaphore, #tpu.memory_space<semaphore_mem>>) src(%dma_wait3A_173 : memref<1000x128xf32, #tpu.memory_space<hbm>>) dst(%arg11 : memref<128x128xf32, #tpu.memory_space<vmem>>)
    %add3A_174 = arith.constant 256 : i32
    %add3A_175 = arith.addi %mul3A_2, %add3A_174 : i32
    %dma_start3A_176 = arith.constant 0 : i32
    %dma_start3A_177 = tpu.memref_slice %arg8[%add3A_175, %dma_start3A_176] : memref<16384x128xf32, #tpu.memory_space<hbm>> -> memref<128x128xf32, #tpu.memory_space<hbm>>
    %dma_start3A_178 = arith.constant 0 : i32
    %dma_start3A_179 = tpu.memref_slice %arg8[%add3A_175, %dma_start3A_178] : memref<16384x128xf32, #tpu.memory_space<hbm>> -> memref<128x128xf32, #tpu.memory_space<hbm>>
    tpu.enqueue_dma source(%arg11 : memref<128x128xf32, #tpu.memory_space<vmem>>) target(%dma_start3A_179 : memref<128x128xf32, #tpu.memory_space<hbm>>) target_semaphore(%arg18 : memref<!tpu.dma_semaphore, #tpu.memory_space<semaphore_mem>>)
    %dma_wait3A_180 = arith.constant 384 : i32
    %dma_wait3A_181 = tpu.memref_slice %arg9[%dma_wait3A_180] : memref<1536xi32, #tpu.memory_space<vmem>> -> memref<128xi32, #tpu.memory_space<vmem>>
    %dma_wait3A_182 = arith.constant 0 : i32
    %dma_wait3A_183 = arith.constant 0 : i32
    %dma_wait3A_184 = tpu.memref_slice %arg3[%dma_wait3A_182, %dma_wait3A_183] : memref<100000x128xf32, #tpu.memory_space<hbm>> -> memref<100000x128xf32, #tpu.memory_space<hbm>>
    tpu.wait_indirect_dma semaphore(%arg19 : memref<!tpu.dma_semaphore, #tpu.memory_space<semaphore_mem>>) src(%dma_wait3A_184 : memref<100000x128xf32, #tpu.memory_space<hbm>>) dst(%arg12 : memref<128x128xf32, #tpu.memory_space<vmem>>)
    %add3A_185 = arith.constant 384 : i32
    %add3A_186 = arith.addi %mul3A_2, %add3A_185 : i32
    %dma_start3A_187 = arith.constant 0 : i32
    %dma_start3A_188 = tpu.memref_slice %arg6[%add3A_186, %dma_start3A_187] : memref<16384x128xf32, #tpu.memory_space<hbm>> -> memref<128x128xf32, #tpu.memory_space<hbm>>
    %dma_start3A_189 = arith.constant 0 : i32
    %dma_start3A_190 = tpu.memref_slice %arg6[%add3A_186, %dma_start3A_189] : memref<16384x128xf32, #tpu.memory_space<hbm>> -> memref<128x128xf32, #tpu.memory_space<hbm>>
    tpu.enqueue_dma source(%arg12 : memref<128x128xf32, #tpu.memory_space<vmem>>) target(%dma_start3A_190 : memref<128x128xf32, #tpu.memory_space<hbm>>) target_semaphore(%arg19 : memref<!tpu.dma_semaphore, #tpu.memory_space<semaphore_mem>>)
    %dma_wait3A_191 = arith.constant 896 : i32
    %dma_wait3A_192 = tpu.memref_slice %arg9[%dma_wait3A_191] : memref<1536xi32, #tpu.memory_space<vmem>> -> memref<128xi32, #tpu.memory_space<vmem>>
    %dma_wait3A_193 = arith.constant 0 : i32
    %dma_wait3A_194 = arith.constant 0 : i32
    %dma_wait3A_195 = tpu.memref_slice %arg4[%dma_wait3A_193, %dma_wait3A_194] : memref<1000000x128xf32, #tpu.memory_space<hbm>> -> memref<1000000x128xf32, #tpu.memory_space<hbm>>
    tpu.wait_indirect_dma semaphore(%arg20 : memref<!tpu.dma_semaphore, #tpu.memory_space<semaphore_mem>>) src(%dma_wait3A_195 : memref<1000000x128xf32, #tpu.memory_space<hbm>>) dst(%arg13 : memref<128x128xf32, #tpu.memory_space<vmem>>)
    %add3A_196 = arith.constant 384 : i32
    %add3A_197 = arith.addi %mul3A_2, %add3A_196 : i32
    %dma_start3A_198 = arith.constant 0 : i32
    %dma_start3A_199 = tpu.memref_slice %arg7[%add3A_197, %dma_start3A_198] : memref<16384x128xf32, #tpu.memory_space<hbm>> -> memref<128x128xf32, #tpu.memory_space<hbm>>
    %dma_start3A_200 = arith.constant 0 : i32
    %dma_start3A_201 = tpu.memref_slice %arg7[%add3A_197, %dma_start3A_200] : memref<16384x128xf32, #tpu.memory_space<hbm>> -> memref<128x128xf32, #tpu.memory_space<hbm>>
    tpu.enqueue_dma source(%arg13 : memref<128x128xf32, #tpu.memory_space<vmem>>) target(%dma_start3A_201 : memref<128x128xf32, #tpu.memory_space<hbm>>) target_semaphore(%arg20 : memref<!tpu.dma_semaphore, #tpu.memory_space<semaphore_mem>>)
    %dma_wait3A_202 = arith.constant 1408 : i32
    %dma_wait3A_203 = tpu.memref_slice %arg9[%dma_wait3A_202] : memref<1536xi32, #tpu.memory_space<vmem>> -> memref<128xi32, #tpu.memory_space<vmem>>
    %dma_wait3A_204 = arith.constant 0 : i32
    %dma_wait3A_205 = arith.constant 0 : i32
    %dma_wait3A_206 = tpu.memref_slice %arg5[%dma_wait3A_204, %dma_wait3A_205] : memref<1000x128xf32, #tpu.memory_space<hbm>> -> memref<1000x128xf32, #tpu.memory_space<hbm>>
    tpu.wait_indirect_dma semaphore(%arg21 : memref<!tpu.dma_semaphore, #tpu.memory_space<semaphore_mem>>) src(%dma_wait3A_206 : memref<1000x128xf32, #tpu.memory_space<hbm>>) dst(%arg14 : memref<128x128xf32, #tpu.memory_space<vmem>>)
    %add3A_207 = arith.constant 384 : i32
    %add3A_208 = arith.addi %mul3A_2, %add3A_207 : i32
    %dma_start3A_209 = arith.constant 0 : i32
    %dma_start3A_210 = tpu.memref_slice %arg8[%add3A_208, %dma_start3A_209] : memref<16384x128xf32, #tpu.memory_space<hbm>> -> memref<128x128xf32, #tpu.memory_space<hbm>>
    %dma_start3A_211 = arith.constant 0 : i32
    %dma_start3A_212 = tpu.memref_slice %arg8[%add3A_208, %dma_start3A_211] : memref<16384x128xf32, #tpu.memory_space<hbm>> -> memref<128x128xf32, #tpu.memory_space<hbm>>
    tpu.enqueue_dma source(%arg14 : memref<128x128xf32, #tpu.memory_space<vmem>>) target(%dma_start3A_212 : memref<128x128xf32, #tpu.memory_space<hbm>>) target_semaphore(%arg21 : memref<!tpu.dma_semaphore, #tpu.memory_space<semaphore_mem>>)
    %dma_wait3A_213 = arith.constant 0 : i32
    %dma_wait3A_214 = tpu.memref_slice %arg8[%add3A_142, %dma_wait3A_213] : memref<16384x128xf32, #tpu.memory_space<hbm>> -> memref<128x128xf32, #tpu.memory_space<hbm>>
    %dma_wait3A_215 = arith.constant 0 : i32
    %dma_wait3A_216 = tpu.memref_slice %arg8[%add3A_142, %dma_wait3A_215] : memref<16384x128xf32, #tpu.memory_space<hbm>> -> memref<128x128xf32, #tpu.memory_space<hbm>>
    tpu.wait_dma2 semaphore(%arg22 : memref<!tpu.dma_semaphore, #tpu.memory_space<semaphore_mem>>) src(%arg15 : memref<128x128xf32, #tpu.memory_space<vmem>>) dst(%dma_wait3A_216 : memref<128x128xf32, #tpu.memory_space<hbm>>)
    %dma_wait3A_217 = arith.constant 0 : i32
    %dma_wait3A_218 = tpu.memref_slice %arg6[%add3A_153, %dma_wait3A_217] : memref<16384x128xf32, #tpu.memory_space<hbm>> -> memref<128x128xf32, #tpu.memory_space<hbm>>
    %dma_wait3A_219 = arith.constant 0 : i32
    %dma_wait3A_220 = tpu.memref_slice %arg6[%add3A_153, %dma_wait3A_219] : memref<16384x128xf32, #tpu.memory_space<hbm>> -> memref<128x128xf32, #tpu.memory_space<hbm>>
    tpu.wait_dma2 semaphore(%arg23 : memref<!tpu.dma_semaphore, #tpu.memory_space<semaphore_mem>>) src(%arg16 : memref<128x128xf32, #tpu.memory_space<vmem>>) dst(%dma_wait3A_220 : memref<128x128xf32, #tpu.memory_space<hbm>>)
    %dma_wait3A_221 = arith.constant 0 : i32
    %dma_wait3A_222 = tpu.memref_slice %arg7[%add3A_164, %dma_wait3A_221] : memref<16384x128xf32, #tpu.memory_space<hbm>> -> memref<128x128xf32, #tpu.memory_space<hbm>>
    %dma_wait3A_223 = arith.constant 0 : i32
    %dma_wait3A_224 = tpu.memref_slice %arg7[%add3A_164, %dma_wait3A_223] : memref<16384x128xf32, #tpu.memory_space<hbm>> -> memref<128x128xf32, #tpu.memory_space<hbm>>
    tpu.wait_dma2 semaphore(%arg17 : memref<!tpu.dma_semaphore, #tpu.memory_space<semaphore_mem>>) src(%arg10 : memref<128x128xf32, #tpu.memory_space<vmem>>) dst(%dma_wait3A_224 : memref<128x128xf32, #tpu.memory_space<hbm>>)
    %dma_wait3A_225 = arith.constant 0 : i32
    %dma_wait3A_226 = tpu.memref_slice %arg8[%add3A_175, %dma_wait3A_225] : memref<16384x128xf32, #tpu.memory_space<hbm>> -> memref<128x128xf32, #tpu.memory_space<hbm>>
    %dma_wait3A_227 = arith.constant 0 : i32
    %dma_wait3A_228 = tpu.memref_slice %arg8[%add3A_175, %dma_wait3A_227] : memref<16384x128xf32, #tpu.memory_space<hbm>> -> memref<128x128xf32, #tpu.memory_space<hbm>>
    tpu.wait_dma2 semaphore(%arg18 : memref<!tpu.dma_semaphore, #tpu.memory_space<semaphore_mem>>) src(%arg11 : memref<128x128xf32, #tpu.memory_space<vmem>>) dst(%dma_wait3A_228 : memref<128x128xf32, #tpu.memory_space<hbm>>)
    %dma_wait3A_229 = arith.constant 0 : i32
    %dma_wait3A_230 = tpu.memref_slice %arg6[%add3A_186, %dma_wait3A_229] : memref<16384x128xf32, #tpu.memory_space<hbm>> -> memref<128x128xf32, #tpu.memory_space<hbm>>
    %dma_wait3A_231 = arith.constant 0 : i32
    %dma_wait3A_232 = tpu.memref_slice %arg6[%add3A_186, %dma_wait3A_231] : memref<16384x128xf32, #tpu.memory_space<hbm>> -> memref<128x128xf32, #tpu.memory_space<hbm>>
    tpu.wait_dma2 semaphore(%arg19 : memref<!tpu.dma_semaphore, #tpu.memory_space<semaphore_mem>>) src(%arg12 : memref<128x128xf32, #tpu.memory_space<vmem>>) dst(%dma_wait3A_232 : memref<128x128xf32, #tpu.memory_space<hbm>>)
    %dma_wait3A_233 = arith.constant 0 : i32
    %dma_wait3A_234 = tpu.memref_slice %arg7[%add3A_197, %dma_wait3A_233] : memref<16384x128xf32, #tpu.memory_space<hbm>> -> memref<128x128xf32, #tpu.memory_space<hbm>>
    %dma_wait3A_235 = arith.constant 0 : i32
    %dma_wait3A_236 = tpu.memref_slice %arg7[%add3A_197, %dma_wait3A_235] : memref<16384x128xf32, #tpu.memory_space<hbm>> -> memref<128x128xf32, #tpu.memory_space<hbm>>
    tpu.wait_dma2 semaphore(%arg20 : memref<!tpu.dma_semaphore, #tpu.memory_space<semaphore_mem>>) src(%arg13 : memref<128x128xf32, #tpu.memory_space<vmem>>) dst(%dma_wait3A_236 : memref<128x128xf32, #tpu.memory_space<hbm>>)
    %dma_wait3A_237 = arith.constant 0 : i32
    %dma_wait3A_238 = tpu.memref_slice %arg8[%add3A_208, %dma_wait3A_237] : memref<16384x128xf32, #tpu.memory_space<hbm>> -> memref<128x128xf32, #tpu.memory_space<hbm>>
    %dma_wait3A_239 = arith.constant 0 : i32
    %dma_wait3A_240 = tpu.memref_slice %arg8[%add3A_208, %dma_wait3A_239] : memref<16384x128xf32, #tpu.memory_space<hbm>> -> memref<128x128xf32, #tpu.memory_space<hbm>>
    tpu.wait_dma2 semaphore(%arg21 : memref<!tpu.dma_semaphore, #tpu.memory_space<semaphore_mem>>) src(%arg14 : memref<128x128xf32, #tpu.memory_space<vmem>>) dst(%dma_wait3A_240 : memref<128x128xf32, #tpu.memory_space<hbm>>)
    return
  }
}

module attributes {stable_mosaic.version = 14 : i64} {
  func.func @_tc_body(%arg0: i32, %arg1: memref<4096x128xf32, #tpu.memory_space<vmem>>, %arg2: memref<4096x128xf32, #tpu.memory_space<vmem>>, %arg3: memref<4096x128xf32, #tpu.memory_space<vmem>>, %arg4: memref<128x128xf32, #tpu.memory_space<vmem>>, %arg5: memref<128x128xf32, #tpu.memory_space<vmem>>, %arg6: memref<128x128xf32, #tpu.memory_space<vmem>>, %arg7: memref<128x3xf32, #tpu.memory_space<vmem>>, %arg8: memref<4096xf32, #tpu.memory_space<vmem>>) attributes {dimension_semantics = [#tpu.dimension_semantics<arbitrary>], iteration_bounds = array<i64: 4>, scalar_prefetch = 0 : i64, scratch_operands = 0 : i64, tpu.core_type = #tpu.core_type<tc>, window_params = [{transform_indices = @transform_0, window_bounds = array<i64: 4096, 128>}, {transform_indices = @transform_1, window_bounds = array<i64: 4096, 128>}, {transform_indices = @transform_2, window_bounds = array<i64: 4096, 128>}, {pipeline_mode = #tpu.pipeline_mode<synchronous>, transform_indices = @transform_3, window_bounds = array<i64: 128, 128>}, {pipeline_mode = #tpu.pipeline_mode<synchronous>, transform_indices = @transform_4, window_bounds = array<i64: 128, 128>}, {pipeline_mode = #tpu.pipeline_mode<synchronous>, transform_indices = @transform_5, window_bounds = array<i64: 128, 128>}, {pipeline_mode = #tpu.pipeline_mode<synchronous>, transform_indices = @transform_6, window_bounds = array<i64: 128, 3>}, {transform_indices = @transform_7, window_bounds = array<i64: 4096>}]} {
    %get3A = arith.constant 0 : index
    %get3A_0 = arith.constant 0 : index
    %get3A_1 = vector.load %arg4[%get3A, %get3A_0] : memref<128x128xf32, #tpu.memory_space<vmem>>, vector<128x128xf32>
    %get3A_2 = arith.constant 0 : index
    %get3A_3 = arith.constant 0 : index
    %get3A_4 = vector.load %arg1[%get3A_2, %get3A_3] : memref<4096x128xf32, #tpu.memory_space<vmem>>, vector<4096x128xf32>
    %dot_general3A = arith.constant dense<0.000000e+00> : vector<128x4096xf32>
    %dot_general3A_5 = tpu.matmul %get3A_1, %get3A_4, %dot_general3A {dimension_numbers = #tpu.dot_dimension_numbers<[1], [1], [0], [0], [0, 0, 1, 0], [], []>, transpose_lhs_hint = false} : vector<128x128xf32>, vector<4096x128xf32>, vector<128x4096xf32> -> vector<128x4096xf32>
    %get3A_6 = arith.constant 0 : index
    %get3A_7 = arith.constant 0 : index
    %get3A_8 = vector.load %arg7[%get3A_6, %get3A_7] : memref<128x3xf32, #tpu.memory_space<vmem>>, vector<128x1xf32>
    %add3A = vector.broadcast %get3A_8 : vector<128x1xf32> to vector<128x4096xf32>
    %add3A_9 = arith.addf %dot_general3A_5, %add3A : vector<128x4096xf32>
    %get3A_10 = arith.constant 0 : index
    %get3A_11 = arith.constant 0 : index
    %get3A_12 = vector.load %arg5[%get3A_10, %get3A_11] : memref<128x128xf32, #tpu.memory_space<vmem>>, vector<128x128xf32>
    %get3A_13 = arith.constant 0 : index
    %get3A_14 = arith.constant 0 : index
    %get3A_15 = vector.load %arg2[%get3A_13, %get3A_14] : memref<4096x128xf32, #tpu.memory_space<vmem>>, vector<4096x128xf32>
    %dot_general3A_16 = arith.constant dense<0.000000e+00> : vector<128x4096xf32>
    %dot_general3A_17 = tpu.matmul %get3A_12, %get3A_15, %dot_general3A_16 {dimension_numbers = #tpu.dot_dimension_numbers<[1], [1], [0], [0], [0, 0, 1, 0], [], []>, transpose_lhs_hint = false} : vector<128x128xf32>, vector<4096x128xf32>, vector<128x4096xf32> -> vector<128x4096xf32>
    %get3A_18 = arith.constant 0 : index
    %get3A_19 = arith.constant 1 : index
    %get3A_20 = vector.load %arg7[%get3A_18, %get3A_19] : memref<128x3xf32, #tpu.memory_space<vmem>>, vector<128x1xf32>
    %add3A_21 = vector.broadcast %get3A_20 : vector<128x1xf32> to vector<128x4096xf32>
    %add3A_22 = arith.addf %dot_general3A_17, %add3A_21 : vector<128x4096xf32>
    %get3A_23 = arith.constant 0 : index
    %get3A_24 = arith.constant 0 : index
    %get3A_25 = vector.load %arg6[%get3A_23, %get3A_24] : memref<128x128xf32, #tpu.memory_space<vmem>>, vector<128x128xf32>
    %get3A_26 = arith.constant 0 : index
    %get3A_27 = arith.constant 0 : index
    %get3A_28 = vector.load %arg3[%get3A_26, %get3A_27] : memref<4096x128xf32, #tpu.memory_space<vmem>>, vector<4096x128xf32>
    %dot_general3A_29 = arith.constant dense<0.000000e+00> : vector<128x4096xf32>
    %dot_general3A_30 = tpu.matmul %get3A_25, %get3A_28, %dot_general3A_29 {dimension_numbers = #tpu.dot_dimension_numbers<[1], [1], [0], [0], [0, 0, 1, 0], [], []>, transpose_lhs_hint = false} : vector<128x128xf32>, vector<4096x128xf32>, vector<128x4096xf32> -> vector<128x4096xf32>
    %get3A_31 = arith.constant 0 : index
    %get3A_32 = arith.constant 2 : index
    %get3A_33 = vector.load %arg7[%get3A_31, %get3A_32] : memref<128x3xf32, #tpu.memory_space<vmem>>, vector<128x1xf32>
    %add3A_34 = vector.broadcast %get3A_33 : vector<128x1xf32> to vector<128x4096xf32>
    %add3A_35 = arith.addf %dot_general3A_30, %add3A_34 : vector<128x4096xf32>
    %mul3A = arith.mulf %add3A_9, %add3A_22 : vector<128x4096xf32>
    %mul3A_36 = arith.mulf %mul3A, %add3A_35 : vector<128x4096xf32>
    %reduce_sum3A = arith.constant dense<0.000000e+00> : vector<4096xf32>
    %reduce_sum3A_37 = vector.multi_reduction <add>, %mul3A_36, %reduce_sum3A [0] : vector<128x4096xf32> to vector<4096xf32>
    %logistic3A = arith.negf %reduce_sum3A_37 : vector<4096xf32>
    %logistic3A_38 = math.exp %logistic3A : vector<4096xf32>
    %logistic3A_39 = arith.constant 1.000000e+00 : f32
    %logistic3A_40 = vector.broadcast %logistic3A_39 : f32 to vector<4096xf32>
    %logistic3A_41 = arith.addf %logistic3A_40, %logistic3A_38 : vector<4096xf32>
    %logistic3A_42 = arith.divf %logistic3A_40, %logistic3A_41 : vector<4096xf32>
    %swap3A = arith.constant 0 : index
    %swap3A_43 = vector.load %arg8[%swap3A] : memref<4096xf32, #tpu.memory_space<vmem>>, vector<4096xf32>
    tpu.vector_store %arg8[%swap3A], %logistic3A_42 {strides = array<i32>} : memref<4096xf32, #tpu.memory_space<vmem>>, vector<4096xf32>,
    return
  }
  func.func @transform_0(%arg0: i32) -> (i32, i32) {
    %c0_i32 = arith.constant 0 : i32
    %c0_i32_0 = arith.constant 0 : i32
    return %arg0, %c0_i32 : i32, i32
  }
  func.func @transform_1(%arg0: i32) -> (i32, i32) {
    %c0_i32 = arith.constant 0 : i32
    %c0_i32_0 = arith.constant 0 : i32
    return %arg0, %c0_i32 : i32, i32
  }
  func.func @transform_2(%arg0: i32) -> (i32, i32) {
    %c0_i32 = arith.constant 0 : i32
    %c0_i32_0 = arith.constant 0 : i32
    return %arg0, %c0_i32 : i32, i32
  }
  func.func @transform_3(%arg0: i32) -> (i32, i32) {
    %c0_i32 = arith.constant 0 : i32
    %c0_i32_0 = arith.constant 0 : i32
    %c0_i32_1 = arith.constant 0 : i32
    return %c0_i32, %c0_i32_0 : i32, i32
  }
  func.func @transform_4(%arg0: i32) -> (i32, i32) {
    %c0_i32 = arith.constant 0 : i32
    %c0_i32_0 = arith.constant 0 : i32
    %c0_i32_1 = arith.constant 0 : i32
    return %c0_i32, %c0_i32_0 : i32, i32
  }
  func.func @transform_5(%arg0: i32) -> (i32, i32) {
    %c0_i32 = arith.constant 0 : i32
    %c0_i32_0 = arith.constant 0 : i32
    %c0_i32_1 = arith.constant 0 : i32
    return %c0_i32, %c0_i32_0 : i32, i32
  }
  func.func @transform_6(%arg0: i32) -> (i32, i32) {
    %c0_i32 = arith.constant 0 : i32
    %c0_i32_0 = arith.constant 0 : i32
    %c0_i32_1 = arith.constant 0 : i32
    return %c0_i32, %c0_i32_0 : i32, i32
  }
  func.func @transform_7(%arg0: i32) -> i32 {
    %c0_i32 = arith.constant 0 : i32
    return %arg0 : i32
  }
}

</mosaic_0001>

<sc_bundles>
// kernel: kernel.4.cloned.1.call-start
scs
__scs_entry_jumppad:
0x0: {  	(pc) =	sbr.rel $0x88, $3  }
0x1: {  	(tag) =	ssettag $0x0;
	lr =	simm.s32 $0x1  }
0x2: {  	[smem:$0x3F95] =	sst lr;
	_ =	strace $0xD0000000  }
0x3: {  	_ = 	snop  }
0x4: {  	_ = 	snop  }
0x5: {  	_ = 	snop  }
0x6: {  	_ = 	snop  }
0x7: {  	_ = 	snop  }
__scs_overlays_trampoline_lowered:
0x8: {  	[smem:$0x3FA4] =	sst s0  }
0x9: {  	[smem:$0x3FA5] =	sst s1  }
0xa: {  	[smem:$0x3FA6] =	sst s2  }
0xb: {  	[smem:$0x3FA7] =	sst s3  }
0xc: {  	[smem:$0x3FA8] =	sst s4  }
0xd: {  	[smem:$0x3FA9] =	sst s5  }
0xe: {  	[smem:$0x3FAA] =	sst s6  }
0xf: {  	[smem:$0x3FAB] =	sst s7  }
0x10: {  	[smem:$0x3FAC] =	sst s8  }
0x11: {  	[smem:$0x3FAD] =	sst s9;
	s0 =	simm.s32 @!p0 $0x0  }
0x12: {  	s1 =	sld [smem:$0x3F93];
	s0 =	simm.s32 @p0 $0x1  }
0x13: {  	[smem:$0x3FAE] =	sst s0;
	s0 =	simm.s32 @!p1 $0x0  }
0x14: {  	s2 =	sld [smem:$0x3F92];
	s0 =	simm.s32 @p1 $0x1  }
0x15: {  	[smem:$0x3FAF] =	sst s0;
	s0 =	simm.s32 @!p2 $0x0  }
0x16: {  	s3 =	sld [smem:$0x3FDB];
	s0 =	simm.s32 @p2 $0x1  }
0x17: {  	s4 =	simm.s32 $0x1BF5;
	[smem:$0x3FB1] =	sst s0  }
0x18: {  	s0 =	sld [smem:$0x3F94];
	_ =	swait.ge [sflag:s4], $0x0  }
0x19: {  	s7 =	sld [smem:$0x3F95]  }
0x1a: {  	s8 =	sadd.s32 $0xFFFFE003, lr  }
0x1b: {  	s9 =	sadd.s32 $0xFFFFFEF7, lr;
	s5 =	simm.s32 $0xFFFFFFFF;
	p2 =	slt.u32 s8, $0xFFFFF086  }
0x1c: {  	p1 =	slt.u32 s9, $0xF7A;
	s5 =	simm.s32 @!p2 $0x0  }
0x1d: {  	s5 =	simm.s32 @p1 $0x1;
	p0 =	seq.s32 s7, s2  }
0x1e: {  	s7 =	smul.u32 @!p0 $0xF7A, s2;
	p2 =	seq.s32 @!p0 s5, $0x0  }
0x1f: {  	s9 =	smul.u32 $0xF7A, s1;
	s8 =	simm.s32 @!p0 $0x1BF5;
	p2 =	por !p2, p0  }
0x20: {  	[sflag:s8] =	ssyncset.s32 @!p0 $0xFFFFF086;
	s6 =	sadd.s32 @!p0 s3, s7;
	s7 =	simm.s32 @!p0 $0x108  }
0x21: {  	s3 =	sadd.s32 s3, s9;
	s6 =	sadd.s32 @!p0 $0x88, s6;
	s7 =	simm.s32 @p2 $0x1082  }
0x22: {  	[simem:s7], [sflag:s8] =	dma.local @!p0 [hbm:s6], $0xF7A  }
0x23: {  	s9 =	sor.u32 $0xD0000000, s2;
	s6 =	simm.s32 $0x108;
	_ =	swait.ge @!p0 [sflag:s8], $0x0  }
0x24: {  	s3 =	sadd.s32 $0x88, s3;
	s6 =	simm.s32 @!p1 $0x1082;
	[sflag:s4] =	ssyncset.s32 $0xFFFFF086  }
0x25: {  	[simem:s6], [sflag:s4] =	dma.local [hbm:s3], $0xF7A  }
0x26: {  	[smem:$0x3F95] =	sst s1;
	(tag) =	ssettag s2;
	_ =	strace s9  }
0x27: {  	s1 =	sld [smem:$0x3FA5]  }
0x28: {  	s2 =	sld [smem:$0x3FA6]  }
0x29: {  	s4 =	sld [smem:$0x3FA8]  }
0x2a: {  	p0 =	seq.s32 s5, $0x0;
	s5 =	sld [smem:$0x3FA9]  }
0x2b: {  	s6 =	sld [smem:$0x3FAA]  }
0x2c: {  	s7 =	sld [smem:$0x3FAB]  }
0x2d: {  	s3 =	simm.s32 $0x108;
	s8 =	sld [smem:$0x3FAC]  }
0x2e: {  	s3 =	simm.s32 @!p0 $0x1082;
	s9 =	sld [smem:$0x3FAD]  }
0x2f: {  	lr =	sadd.s32 s0, s3;
	s0 =	sld [smem:$0x3FA4]  }
0x30: {  	s3 =	sld [smem:$0x3FA7]  }
0x31: {  	[smem:$0x3FB0] =	sst s10  }
0x32: {  	s10 =	sld [smem:$0x3FAE];
	_ =	sdelay $0x3  }
0x33: {  	p0 =	seq.s32 s10, $0x1;
	s10 =	sld [smem:$0x3FB0];
	_ =	sdelay $0x3  }
0x34: {  	[smem:$0x3FB0] =	sst s10  }
0x35: {  	s10 =	sld [smem:$0x3FAF];
	_ =	sdelay $0x3  }
0x36: {  	p1 =	seq.s32 s10, $0x1;
	s10 =	sld [smem:$0x3FB0];
	_ =	sdelay $0x3  }
0x37: {  	[smem:$0x3FB0] =	sst s10  }
0x38: {  	s10 =	sld [smem:$0x3FB1]  }
0x39: {  	_ = 	snop;
	(pc) =	sbr.ind lr, $3  }
0x3a: {  	_ = 	snop  }
0x3b: {  	_ = 	snop  }
0x3c: {  	p2 =	seq.s32 s10, $0x1;
	s10 =	sld [smem:$0x3FB0]  }
0x3d: {  	_ =	shalt  }
0x3e: {  	_ =	shalt  }
0x3f: {  	_ =	shalt  }
0x40: {  	_ =	shalt  }
0x41: {  	_ =	shalt  }
0x42: {  	_ =	shalt  }
0x43: {  	_ =	shalt  }
0x44: {  	_ =	shalt  }
0x45: {  	_ =	shalt  }
0x46: {  	_ =	shalt  }
0x47: {  	_ =	shalt  }
0x48: {  	_ =	shalt  }
0x49: {  	_ =	shalt  }
0x4a: {  	_ =	shalt  }
0x4b: {  	_ =	shalt  }
0x4c: {  	_ =	shalt  }
0x4d: {  	_ =	shalt  }
0x4e: {  	_ =	shalt  }
0x4f: {  	_ =	shalt  }
0x50: {  	_ =	shalt  }
0x51: {  	_ =	shalt  }
0x52: {  	_ =	shalt  }
0x53: {  	_ =	shalt  }
0x54: {  	_ =	shalt  }
0x55: {  	_ =	shalt  }
0x56: {  	_ =	shalt  }
0x57: {  	_ =	shalt  }
0x58: {  	_ =	shalt  }
0x59: {  	_ =	shalt  }
0x5a: {  	_ =	shalt  }
0x5b: {  	_ =	shalt  }
0x5c: {  	_ =	shalt  }
0x5d: {  	_ =	shalt  }
0x5e: {  	_ =	shalt  }
0x5f: {  	_ =	shalt  }
0x60: {  	_ =	shalt  }
0x61: {  	_ =	shalt  }
0x62: {  	_ =	shalt  }
0x63: {  	_ =	shalt  }
0x64: {  	_ =	shalt  }
0x65: {  	_ =	shalt  }
0x66: {  	_ =	shalt  }
0x67: {  	_ =	shalt  }
0x68: {  	_ =	shalt  }
0x69: {  	_ =	shalt  }
0x6a: {  	_ =	shalt  }
0x6b: {  	_ =	shalt  }
0x6c: {  	_ =	shalt  }
0x6d: {  	_ =	shalt  }
0x6e: {  	_ =	shalt  }
0x6f: {  	_ =	shalt  }
0x70: {  	_ =	shalt  }
0x71: {  	_ =	shalt  }
0x72: {  	_ =	shalt  }
0x73: {  	_ =	shalt  }
0x74: {  	_ =	shalt  }
0x75: {  	_ =	shalt  }
0x76: {  	_ =	shalt  }
0x77: {  	_ =	shalt  }
0x78: {  	_ =	shalt  }
0x79: {  	_ =	shalt  }
0x7a: {  	_ =	shalt  }
0x7b: {  	_ =	shalt  }
0x7c: {  	_ =	shalt  }
0x7d: {  	_ =	shalt  }
0x7e: {  	_ =	shalt  }
0x7f: {  	_ =	shalt  }
0x80: {  	_ =	shalt  }
0x81: {  	_ =	shalt  }
0x82: {  	_ =	shalt  }
0x83: {  	_ =	shalt  }
0x84: {  	_ =	shalt  }
0x85: {  	_ =	shalt  }
0x86: {  	_ =	shalt  }
0x87: {  	_ =	shalt  }
.Lfunc_end0:
.L_simem_size_0:
called_computation_lowered:
.L_overlay_start_0:
0x88: {  	s2 =	sld [smem:$0x3FD9]  }
0x89: {  	s3 =	sld [smem:$0x3FFE];
	_ =	sdelay $0x1  }
0x8a: {  	s1 =	srdreg.scid  }
0x8b: {  	s0 =	sand.u32 $0x1, s1  }
0x8c: {  	s17 =	sshll.u32 s0, $0xA;
	s2 =	sadd.s32 s3, s2  }
0x8d: {  	s2 =	sadd.s32 s2, s17  }
0x8e: {  	[smem:$0x3FBC] =	sst s2  }
0x8f: {  	_ = 	snop  }
0x90: {  	s2 =	sld [smem:$0x3FC6]  }
0x91: {  	s18 =	sld [smem:$0x3FC5]  }
0x92: {  	s4 =	sld [smem:$0x3FC4];
	(tm) =	ssettm $0x1  }
0x93: {  	s5 =	sld [smem:$0x3FFB];
	_ =	sdelay $0x3  }
0x94: {  	_ =	strace s5  }
0x95: {  	s5 =	sld [smem:$0x3FFC];
	_ =	sdelay $0x3  }
0x96: {  	_ =	strace s5  }
0x97: {  	s5 =	sld [smem:$0x3FFD];
	_ =	sdelay $0x3  }
0x98: {  	_ =	strace s5  }
0x99: {  	_ =	strace $0x8FFFFFFF  }
0x9a: {  	s19 =	sld [smem:$0x3FDB];
	_ =	sdelay $0x1  }
0x9b: {  	s6 =	simm.s32 $_scs_section_size  }
0x9c: {  	s7 =	simm.s32 $_size__tile_overlayer_lowered;
	s8 =	simm.s32 $_tile_overlayer_lowered  }
0x9d: {  	s22 =	simm.s32 $0x1BFF;
	s21 =	sshll.u32 s8, $0x1;
	s5 =	sadd.s32 s6, s19  }
0x9e: {  	s9 =	simm.s32 $0x0;
	s20 =	sshll.u32 s7, $0x1;
	s7 =	sadd.s32 s21, s5  }
0x9f: {  	[timem:s9], [sflag:s22] =	dma.local [hbm:s7], s20  }
0xa0: {  	_ =	swait.ge [sflag:s22], s20  }
0xa1: {  	s6 =	ssub.s32 $0x0, s20;
	[sflag:s22] =	ssyncset.done $0x0  }
0xa2: {  	[sflag:s22] =	ssyncadd.s32 s6;
	_ =	sdelay $0x1  }
0xa3: {  	s23 =	simm.s32 $0x1B8B  }
0xa4: {  	_ =	swait.ge [sflag:s23], $0x1  }
0xa5: {  	[sflag:s23] =	ssyncset.done $0x0  }
0xa6: {  	s25 =	simm.s32 $0x1B8E;
	s24 =	sld [smem:$0x3FFE];
	[sflag:s23] =	ssyncadd.s32 $0xFFFFFFFF  }
0xa7: {  	s26 =	simm.s32 $execute0_lowered;
	[smem:$0x3FD2] =	sst s25  }
0xa8: {  	s7 =	sshll.u32 s26, $0x1;
	_ =	strace $0x80000046;
	[dreg:$0x1] =	wrdreg $0xFFFFFFFF  }
0xa9: {  	s28 =	simm.s32 $_size_execute0_lowered;
	s5 =	sadd.s32 s5, s7;
	[dreg:$0x0] =	wrdreg $0x0  }
0xaa: {  	s7 =	sshll.u32 s28, $0x1;
	[dreg:$0x2] =	wrdreg s5  }
0xab: {  	[dreg:$0x3] =	wrdreg s7  }
0xac: {  	[dreg:$0x4] =	wrdreg $0xC0  }
0xad: {  	_ =	task [dreg:s9], $0x5FFFF  }
0xae: {  	[dreg:$0x1] =	wrdreg $0xFFFFFFFF  }
0xaf: {  	[dreg:$0x0] =	wrdreg $0x60  }
0xb0: {  	[dreg:$0x2] =	wrdreg s24  }
0xb1: {  	[dreg:$0x3] =	wrdreg s2  }
0xb2: {  	[dreg:$0x4] =	wrdreg s18  }
0xb3: {  	[dreg:$0x5] =	wrdreg s4  }
0xb4: {  	[dreg:$0x6] =	wrdreg $0x9  }
0xb5: {  	_ =	task.clear_ibuf [dreg:s9], $0x7FFFF;
	_ =	strace $0x90000046  }
0xb6: {  	s29 =	simm.s32 $0x9;
	_ =	strace $0x80000048  }
0xb7: {  	_ =	swait.ge [sflag:s29], $0x1  }
0xb8: {  	[sflag:s29] =	ssyncadd.s32 $0xFFFFFFFF  }
0xb9: {  	_ =	strace $0x90000048  }
0xba: {  	_ =	sfence  }
0xbb: {  	s30 =	sld [smem:$0x0];
	_ =	sdelay $0x2  }
0xbc: {  	s31 =	sshll.u32 s1, $0xD;
	s1 =	sshrl.u32 s1, $0x2  }
0xbd: {  	s3 =	sand.u32 $0x4000, s31;
	s1 =	sadd.s32 s1, s30  }
0xbe: {  	s0 =	sor.u32 s3, s0;
	s1 =	sshll.u32 s1, $0x11  }
0xbf: {  	s0 =	sor.u32 s1, s0  }
0xc0: {  	s0 =	sadd.s32 $0x8F2B, s0  }
0xc1: {  	[sflag:s0] =	ssyncadd.remote.s32 $0x1  }
0xc2: {  	_ =	sfence.sel $0xFFFF  }
0xc3: {  	[dreg:$0x0] =	wrdreg $0xFFFFFFFF;
	(pc) =	sbr.abs _section_cstart, $3  }
0xc4: {  	[dreg:$0x1] =	wrdreg $0xFFFFFFFF  }
0xc5: {  	_ =	task.clear_ibuf [dreg:s9], $0x2FFFF;
	_ =	strace $0x9FFFFFFF  }
0xc6: {  	(tm) =	ssettm $0x7FFFFFFF  }
0xc7: {  	_ =	shalt  }
tec
execute0_lowered:
.L_overlay_start_1:
0x0: {  	(tag) =	ssettag $0x1  }
0x1: {  	s0 =	srdreg.scid;
	s1 =	rddreg [dreg:$0x0]  }
0x2: {  	s3 =	stileid.u32;
	s5 =	rddreg [dreg:$0x1]  }
0x3: {  	s4 =	rddreg [dreg:$0x2];
	s26 =	simm.s32 $0x400;
	s28 =	simm.s32 $0x8  }
0x4: {  	s25 =	simm.s32 $0x200;
	s30 =	simm.s32 $0x280;
	s31 =	simm.s32 $0x480  }
0x5: {  	s29 =	simm.s32 $0x100;
	p0 =	por $0x0, $0x0;
	s0 =	sand.u32 $0x1, s0  }
0x6: {  	s2 =	sshll.u32 s3, $0x1;
	s9 =	sshrl.u32 s3, $0x2;
	s3 =	rddreg [dreg:$0x3]  }
0x7: {  	s11 =	sadd.s32 $0x3000, s1;
	s6 =	sor.u32 s0, s2;
	s7 =	smul.u32 $0x3000, s9  }
0x8: {  	s2 =	simm.s32 $0x0;
	s9 =	sadd.s32 $0x43000, s1;
	s0 =	ssub.s32 $0x2, s0  }
0x9: {  	s10 =	sshll.u32 s6, $0x7;
	[smem:$0x7FF] =	sst s2;
	s6 =	sshll.u32 s6, $0xD  }
0xa: {  	s23 =	sshrl.u32 s0, $0x1;
	s8 =	sand.u32 $0x380, s10;
	_ =	strace $0x80000047  }
0xb: {  	s12 =	sadd.s32 s11, s6;
	s13 =	sadd.s32 s9, s6;
	s10 =	sor.u32 $0x800, s6  }
0xc: {  	s18 =	sor.u32 $0x1000, s6;
	s0 =	ssub.s32 s0, s23;
	[dreg:$0x12] =	wrdreg s25  }
0xd: {  	s25 =	simm.s32 $0x300;
	s23 =	simm.s32 $0x180;
	[dreg:$0x6] =	wrdreg s12  }
0xe: {  	s7 =	sor.u32 s7, s8;
	[dreg:$0x7] =	wrdreg s13;
	s15 =	sadd.s32 s11, s10  }
0xf: {  	s16 =	sadd.s32 s9, s10;
	s19 =	sadd.s32 s11, s18;
	[dreg:$0x9] =	wrdreg s15  }
0x10: {  	s20 =	sadd.s32 s9, s18;
	s0 =	smax.u32 s0, $0x1;
	[dreg:$0xa] =	wrdreg s16  }
0x11: {  	s13 =	simm.s32 $0x8600;
	s12 =	simm.s32 $0xC600;
	[dreg:$0xc] =	wrdreg s19  }
0x12: {  	s8 =	simm.s32 $0x1;
	s7 =	sshrl.u32 s7, $0x3;
	[dreg:$0xd] =	wrdreg s20  }
0x13: {  	s16 =	simm.s32 $0x600;
	s20 =	simm.s32 $0x14600;
	s7 =	sadd.s32 s7, s1  }
0x14: {  	s19 =	simm.s32 $0x18600;
	s1 =	sadd.s32 $0x83000, s1;
	s7 =	sadd.s32 $0x1800, s7  }
0x15: {  	p1 =	sne.s32 s0, $0x1;
	s14 =	sadd.s32 s1, s6;
	[dreg:$0x5] =	wrdreg s7  }
0x16: {  	s15 =	simm.s32 $0x7;
	s17 =	sadd.s32 s1, s10;
	[dreg:$0x8] =	wrdreg s14  }
0x17: {  	s21 =	sadd.s32 s1, s18;
	s6 =	sor.u32 $0x1800, s6;
	[dreg:$0xb] =	wrdreg s17  }
0x18: {  	s18 =	simm.s32 $0x80;
	s10 =	simm.s32 $0x5;
	[dreg:$0xe] =	wrdreg s21  }
0x19: {  	s22 =	sadd.s32 s11, s6;
	s24 =	sadd.s32 s9, s6;
	s1 =	sadd.s32 s1, s6  }
.Ltmp0:
0x1a: {  	s14 =	simm.s32 $0x4600;
	s11 =	simm.s32 $0x10600;
	(pc) =	sbr.rel @!p1 .LBB2_3-.Ltmp0, $4  }
0x1b: {  	s9 =	simm.s32 $0x2;
	s7 =	simm.s32 $0x3;
	[dreg:$0xf] =	wrdreg s22  }
0x1c: {  	s6 =	simm.s32 $0x4;
	s17 =	simm.s32 $0x6;
	[dreg:$0x10] =	wrdreg s24  }
0x1d: {  	s21 =	simm.s32 $0x580;
	[dreg:$0x11] =	wrdreg s1;
	s24 =	simm.s32 $0x500  }
0x1e: {  	s1 =	sadd.s32 $0xFFFFFFFF, s0;
	s22 =	simm.s32 $0x380;
	s0 =	rddreg [dreg:$0x5]  }
0x1f: {  	[tilespmem:s2], [sflag:$0x8] =	stream.strided.gather [hbm4b:s0+s18], $0x600, s26, s18, $0x38;
	[tilespmem:$0x1C600] =	vst v63  }
0x20: {  	_ =	swait.ge [sflag:s28], $0x600  }
0x21: {  	[sflag:s28] =	ssyncset.done $0x0  }
0x22: {  	[sflag:s28] =	ssyncadd.s32 $0xFFFFFA00  }
0x23: {  	[tilespmem:s16], [sflag:$0x1] =	stream.indirect.gather [hbm4b:s5+s18], $0x80, s2, s18, $0xb8;
	[tilespmem:$0x1C600] =	vst v63  }
0x24: {  	s0 =	rddreg [dreg:$0x12]  }
0x25: {  	[tilespmem:s14], [sflag:$0x2] =	stream.indirect.gather [hbm4b:s4+s18], $0x80, s0, s18, $0xb8;
	[tilespmem:$0x1C600] =	vst v63  }
0x26: {  	_ = 	snop  }
0x27: {  	[tilespmem:s13], [sflag:$0x3] =	stream.indirect.gather [hbm4b:s3+s18], $0x80, s26, s18, $0xb8;
	[tilespmem:$0x1C600] =	vst v63  }
0x28: {  	_ = 	snop  }
0x29: {  	[tilespmem:s12], [sflag:$0x4] =	stream.indirect.gather [hbm4b:s5+s18], $0x80, s18, s18, $0xb8;
	[tilespmem:$0x1C600] =	vst v63  }
0x2a: {  	_ = 	snop  }
0x2b: {  	[tilespmem:s11], [sflag:$0x5] =	stream.indirect.gather [hbm4b:s4+s18], $0x80, s30, s18, $0xb8;
	[tilespmem:$0x1C600] =	vst v63  }
0x2c: {  	_ = 	snop  }
0x2d: {  	[tilespmem:s20], [sflag:$0x6] =	stream.indirect.gather [hbm4b:s3+s18], $0x80, s31, s18, $0xb8;
	[tilespmem:$0x1C600] =	vst v63  }
0x2e: {  	_ =	swait.ge [sflag:s8], $0x4000  }
0x2f: {  	[sflag:s8] =	ssyncset.done $0x0  }
0x30: {  	[sflag:s8] =	ssyncadd.s32 $0xFFFFC000  }
0x31: {  	[tilespmem:s19], [sflag:$0x7] =	stream.indirect.gather [hbm4b:s5+s18], $0x80, s29, s18, $0xb8;
	[tilespmem:$0x1C600] =	vst v63  }
0x32: {  	s0 =	rddreg [dreg:$0x6]  }
0x33: {  	[hbm4b:s0+s2] =	stream.linear.scatter [tilespmem:s16], [sflag:$0x1], $0x4000, $0x38;
	[tilespmem:$0x1C600] =	vst v63  }
0x34: {  	_ =	swait.ge [sflag:s9], $0x4000  }
0x35: {  	[sflag:s9] =	ssyncset.done $0x0  }
0x36: {  	[sflag:s9] =	ssyncadd.s32 $0xFFFFC000  }
0x37: {  	_ =	swait.ge [sflag:s8], $0x4000  }
0x38: {  	[sflag:s8] =	ssyncset.done $0x0  }
0x39: {  	[sflag:s8] =	ssyncadd.s32 $0xFFFFC000  }
0x3a: {  	[tilespmem:s16], [sflag:$0x1] =	stream.indirect.gather [hbm4b:s4+s18], $0x80, s25, s18, $0xb8;
	[tilespmem:$0x1C600] =	vst v63  }
0x3b: {  	s0 =	rddreg [dreg:$0x7]  }
0x3c: {  	[hbm4b:s0+s2] =	stream.linear.scatter [tilespmem:s14], [sflag:$0x2], $0x4000, $0x38;
	[tilespmem:$0x1C600] =	vst v63  }
0x3d: {  	_ =	swait.ge [sflag:s7], $0x4000  }
0x3e: {  	[sflag:s7] =	ssyncset.done $0x0  }
0x3f: {  	[sflag:s7] =	ssyncadd.s32 $0xFFFFC000  }
0x40: {  	_ =	swait.ge [sflag:s9], $0x4000  }
0x41: {  	[sflag:s9] =	ssyncset.done $0x0  }
0x42: {  	[sflag:s9] =	ssyncadd.s32 $0xFFFFC000  }
0x43: {  	[tilespmem:s14], [sflag:$0x2] =	stream.indirect.gather [hbm4b:s3+s18], $0x80, s24, s18, $0xb8;
	[tilespmem:$0x1C600] =	vst v63  }
0x44: {  	s0 =	rddreg [dreg:$0x8]  }
0x45: {  	[hbm4b:s0+s2] =	stream.linear.scatter [tilespmem:s13], [sflag:$0x3], $0x4000, $0x38;
	[tilespmem:$0x1C600] =	vst v63  }
0x46: {  	_ =	swait.ge [sflag:s6], $0x4000  }
0x47: {  	[sflag:s6] =	ssyncset.done $0x0  }
0x48: {  	[sflag:s6] =	ssyncadd.s32 $0xFFFFC000  }
0x49: {  	_ =	swait.ge [sflag:s7], $0x4000  }
0x4a: {  	[sflag:s7] =	ssyncset.done $0x0  }
0x4b: {  	[sflag:s7] =	ssyncadd.s32 $0xFFFFC000  }
0x4c: {  	[tilespmem:s13], [sflag:$0x3] =	stream.indirect.gather [hbm4b:s5+s18], $0x80, s23, s18, $0xb8;
	[tilespmem:$0x1C600] =	vst v63  }
0x4d: {  	s0 =	rddreg [dreg:$0x9]  }
0x4e: {  	[hbm4b:s0+s2] =	stream.linear.scatter [tilespmem:s12], [sflag:$0x4], $0x4000, $0x38;
	[tilespmem:$0x1C600] =	vst v63  }
0x4f: {  	_ =	swait.ge [sflag:s10], $0x4000  }
0x50: {  	[sflag:s10] =	ssyncset.done $0x0  }
0x51: {  	[sflag:s10] =	ssyncadd.s32 $0xFFFFC000  }
0x52: {  	_ =	swait.ge [sflag:s6], $0x4000  }
0x53: {  	[sflag:s6] =	ssyncset.done $0x0  }
0x54: {  	[sflag:s6] =	ssyncadd.s32 $0xFFFFC000  }
0x55: {  	[tilespmem:s12], [sflag:$0x4] =	stream.indirect.gather [hbm4b:s4+s18], $0x80, s22, s18, $0xb8;
	[tilespmem:$0x1C600] =	vst v63  }
0x56: {  	s0 =	rddreg [dreg:$0xa]  }
0x57: {  	[hbm4b:s0+s2] =	stream.linear.scatter [tilespmem:s11], [sflag:$0x5], $0x4000, $0x38;
	[tilespmem:$0x1C600] =	vst v63  }
0x58: {  	_ =	swait.ge [sflag:s17], $0x4000  }
0x59: {  	[sflag:s17] =	ssyncset.done $0x0  }
0x5a: {  	[sflag:s17] =	ssyncadd.s32 $0xFFFFC000  }
0x5b: {  	_ =	swait.ge [sflag:s10], $0x4000  }
0x5c: {  	[sflag:s10] =	ssyncset.done $0x0  }
0x5d: {  	[sflag:s10] =	ssyncadd.s32 $0xFFFFC000  }
0x5e: {  	[tilespmem:s11], [sflag:$0x5] =	stream.indirect.gather [hbm4b:s3+s18], $0x80, s21, s18, $0xb8;
	[tilespmem:$0x1C600] =	vst v63  }
0x5f: {  	s0 =	rddreg [dreg:$0xb]  }
0x60: {  	[hbm4b:s0+s2] =	stream.linear.scatter [tilespmem:s20], [sflag:$0x6], $0x4000, $0x38;
	[tilespmem:$0x1C600] =	vst v63  }
0x61: {  	_ =	swait.ge [sflag:s15], $0x4000  }
0x62: {  	[sflag:s15] =	ssyncset.done $0x0  }
0x63: {  	s0 =	rddreg [dreg:$0xc];
	[sflag:s15] =	ssyncadd.s32 $0xFFFFC000  }
0x64: {  	[hbm4b:s0+s2] =	stream.linear.scatter [tilespmem:s19], [sflag:$0x7], $0x4000, $0x38;
	[tilespmem:$0x1C600] =	vst v63  }
0x65: {  	_ =	swait.ge [sflag:s8], $0x4000  }
0x66: {  	[sflag:s8] =	ssyncset.done $0x0  }
0x67: {  	s0 =	rddreg [dreg:$0xd];
	[sflag:s8] =	ssyncadd.s32 $0xFFFFC000  }
0x68: {  	[hbm4b:s0+s2] =	stream.linear.scatter [tilespmem:s16], [sflag:$0x1], $0x4000, $0x38;
	[tilespmem:$0x1C600] =	vst v63  }
0x69: {  	_ =	swait.ge [sflag:s9], $0x4000  }
0x6a: {  	[sflag:s9] =	ssyncset.done $0x0  }
0x6b: {  	s0 =	rddreg [dreg:$0xe];
	[sflag:s9] =	ssyncadd.s32 $0xFFFFC000  }
0x6c: {  	[hbm4b:s0+s2] =	stream.linear.scatter [tilespmem:s14], [sflag:$0x2], $0x4000, $0x38;
	[tilespmem:$0x1C600] =	vst v63  }
0x6d: {  	_ =	swait.ge [sflag:s7], $0x4000  }
0x6e: {  	[sflag:s7] =	ssyncset.done $0x0  }
0x6f: {  	s0 =	rddreg [dreg:$0xf];
	[sflag:s7] =	ssyncadd.s32 $0xFFFFC000  }
0x70: {  	[hbm4b:s0+s2] =	stream.linear.scatter [tilespmem:s13], [sflag:$0x3], $0x4000, $0x38;
	[tilespmem:$0x1C600] =	vst v63  }
0x71: {  	_ =	swait.ge [sflag:s6], $0x4000  }
0x72: {  	[sflag:s6] =	ssyncset.done $0x0  }
0x73: {  	s0 =	rddreg [dreg:$0x10];
	[sflag:s6] =	ssyncadd.s32 $0xFFFFC000  }
0x74: {  	[hbm4b:s0+s2] =	stream.linear.scatter [tilespmem:s12], [sflag:$0x4], $0x4000, $0x38;
	[tilespmem:$0x1C600] =	vst v63  }
0x75: {  	_ =	swait.ge [sflag:s10], $0x4000  }
0x76: {  	[sflag:s10] =	ssyncset.done $0x0  }
0x77: {  	s0 =	rddreg [dreg:$0x11];
	[sflag:s10] =	ssyncadd.s32 $0xFFFFC000  }
0x78: {  	[hbm4b:s0+s2] =	stream.linear.scatter [tilespmem:s11], [sflag:$0x5], $0x4000, $0x38;
	[tilespmem:$0x1C600] =	vst v63  }
0x79: {  	_ =	swait.ge [sflag:s17], $0x4000  }
0x7a: {  	[sflag:s17] =	ssyncset.done $0x0  }
0x7b: {  	[sflag:s17] =	ssyncadd.s32 $0xFFFFC000  }
0x7c: {  	_ =	swait.ge [sflag:s15], $0x4000  }
0x7d: {  	[sflag:s15] =	ssyncset.done $0x0  }
0x7e: {  	[sflag:s15] =	ssyncadd.s32 $0xFFFFC000  }
0x7f: {  	_ =	swait.ge [sflag:s8], $0x4000  }
0x80: {  	[sflag:s8] =	ssyncset.done $0x0  }
0x81: {  	[sflag:s8] =	ssyncadd.s32 $0xFFFFC000  }
0x82: {  	_ =	swait.ge [sflag:s9], $0x4000  }
0x83: {  	[sflag:s9] =	ssyncset.done $0x0  }
0x84: {  	[sflag:s9] =	ssyncadd.s32 $0xFFFFC000  }
0x85: {  	_ =	swait.ge [sflag:s7], $0x4000  }
0x86: {  	[sflag:s7] =	ssyncset.done $0x0  }
0x87: {  	p1 =	sne.s32 s1, $0x1;
	[sflag:s7] =	ssyncadd.s32 $0xFFFFC000  }
.Ltmp1:
0x88: {  	_ =	swait.ge [sflag:s6], $0x4000;
	(pc) =	sbr.rel @!p1 .LBB2_3-.Ltmp1, $4  }
0x89: {  	[sflag:s6] =	ssyncset.done $0x0  }
0x8a: {  	[sflag:s6] =	ssyncadd.s32 $0xFFFFC000  }
0x8b: {  	s1 =	sadd.s32 $0xFFFFFFFF, s1;
	_ =	swait.ge [sflag:s10], $0x4000  }
0x8c: {  	p0 =	por $0x1, $0x1;
	s0 =	rddreg [dreg:$0x5];
	[sflag:s10] =	ssyncset.done $0x0  }
.LBB2_2:
0x8d: {  	[sflag:s10] =	ssyncadd.s32 $0xFFFFC000  }
0x8e: {  	[tilespmem:s2], [sflag:$0x8] =	stream.strided.gather [hbm4b:s0+s18], $0x600, s26, s18, $0x38;
	[tilespmem:$0x1C600] =	vst v63  }
0x8f: {  	_ =	swait.ge [sflag:s28], $0x600  }
0x90: {  	[sflag:s28] =	ssyncset.done $0x0  }
0x91: {  	[sflag:s28] =	ssyncadd.s32 $0xFFFFFA00  }
0x92: {  	[tilespmem:s16], [sflag:$0x1] =	stream.indirect.gather [hbm4b:s5+s18], $0x80, s2, s18, $0xb8;
	[tilespmem:$0x1C600] =	vst v63  }
0x93: {  	s0 =	rddreg [dreg:$0x12]  }
0x94: {  	[tilespmem:s14], [sflag:$0x2] =	stream.indirect.gather [hbm4b:s4+s18], $0x80, s0, s18, $0xb8;
	[tilespmem:$0x1C600] =	vst v63  }
0x95: {  	_ = 	snop  }
0x96: {  	[tilespmem:s13], [sflag:$0x3] =	stream.indirect.gather [hbm4b:s3+s18], $0x80, s26, s18, $0xb8;
	[tilespmem:$0x1C600] =	vst v63  }
0x97: {  	_ = 	snop  }
0x98: {  	[tilespmem:s12], [sflag:$0x4] =	stream.indirect.gather [hbm4b:s5+s18], $0x80, s18, s18, $0xb8;
	[tilespmem:$0x1C600] =	vst v63  }
0x99: {  	_ = 	snop  }
0x9a: {  	[tilespmem:s11], [sflag:$0x5] =	stream.indirect.gather [hbm4b:s4+s18], $0x80, s30, s18, $0xb8;
	[tilespmem:$0x1C600] =	vst v63  }
0x9b: {  	_ = 	snop  }
0x9c: {  	[tilespmem:s20], [sflag:$0x6] =	stream.indirect.gather [hbm4b:s3+s18], $0x80, s31, s18, $0xb8;
	[tilespmem:$0x1C600] =	vst v63  }
0x9d: {  	_ =	swait.ge [sflag:s8], $0x4000  }
0x9e: {  	[sflag:s8] =	ssyncset.done $0x0  }
0x9f: {  	[sflag:s8] =	ssyncadd.s32 $0xFFFFC000  }
0xa0: {  	[tilespmem:s19], [sflag:$0x7] =	stream.indirect.gather [hbm4b:s5+s18], $0x80, s29, s18, $0xb8;
	[tilespmem:$0x1C600] =	vst v63  }
0xa1: {  	s0 =	rddreg [dreg:$0x6]  }
0xa2: {  	[hbm4b:s0+s2] =	stream.linear.scatter [tilespmem:s16], [sflag:$0x1], $0x4000, $0x38;
	[tilespmem:$0x1C600] =	vst v63  }
0xa3: {  	_ =	swait.ge [sflag:s9], $0x4000  }
0xa4: {  	[sflag:s9] =	ssyncset.done $0x0  }
0xa5: {  	[sflag:s9] =	ssyncadd.s32 $0xFFFFC000  }
0xa6: {  	_ =	swait.ge [sflag:s8], $0x4000  }
0xa7: {  	[sflag:s8] =	ssyncset.done $0x0  }
0xa8: {  	[sflag:s8] =	ssyncadd.s32 $0xFFFFC000  }
0xa9: {  	[tilespmem:s16], [sflag:$0x1] =	stream.indirect.gather [hbm4b:s4+s18], $0x80, s25, s18, $0xb8;
	[tilespmem:$0x1C600] =	vst v63  }
0xaa: {  	s0 =	rddreg [dreg:$0x7]  }
0xab: {  	[hbm4b:s0+s2] =	stream.linear.scatter [tilespmem:s14], [sflag:$0x2], $0x4000, $0x38;
	[tilespmem:$0x1C600] =	vst v63  }
0xac: {  	_ =	swait.ge [sflag:s7], $0x4000  }
0xad: {  	[sflag:s7] =	ssyncset.done $0x0  }
0xae: {  	[sflag:s7] =	ssyncadd.s32 $0xFFFFC000  }
0xaf: {  	_ =	swait.ge [sflag:s9], $0x4000  }
0xb0: {  	[sflag:s9] =	ssyncset.done $0x0  }
0xb1: {  	[sflag:s9] =	ssyncadd.s32 $0xFFFFC000  }
0xb2: {  	[tilespmem:s14], [sflag:$0x2] =	stream.indirect.gather [hbm4b:s3+s18], $0x80, s24, s18, $0xb8;
	[tilespmem:$0x1C600] =	vst v63  }
0xb3: {  	s0 =	rddreg [dreg:$0x8]  }
0xb4: {  	[hbm4b:s0+s2] =	stream.linear.scatter [tilespmem:s13], [sflag:$0x3], $0x4000, $0x38;
	[tilespmem:$0x1C600] =	vst v63  }
0xb5: {  	_ =	swait.ge [sflag:s6], $0x4000  }
0xb6: {  	[sflag:s6] =	ssyncset.done $0x0  }
0xb7: {  	[sflag:s6] =	ssyncadd.s32 $0xFFFFC000  }
0xb8: {  	_ =	swait.ge [sflag:s7], $0x4000  }
0xb9: {  	[sflag:s7] =	ssyncset.done $0x0  }
0xba: {  	[sflag:s7] =	ssyncadd.s32 $0xFFFFC000  }
0xbb: {  	[tilespmem:s13], [sflag:$0x3] =	stream.indirect.gather [hbm4b:s5+s18], $0x80, s23, s18, $0xb8;
	[tilespmem:$0x1C600] =	vst v63  }
0xbc: {  	s0 =	rddreg [dreg:$0x9]  }
0xbd: {  	[hbm4b:s0+s2] =	stream.linear.scatter [tilespmem:s12], [sflag:$0x4], $0x4000, $0x38;
	[tilespmem:$0x1C600] =	vst v63  }
0xbe: {  	_ =	swait.ge [sflag:s10], $0x4000  }
0xbf: {  	[sflag:s10] =	ssyncset.done $0x0  }
0xc0: {  	[sflag:s10] =	ssyncadd.s32 $0xFFFFC000  }
0xc1: {  	_ =	swait.ge [sflag:s6], $0x4000  }
0xc2: {  	[sflag:s6] =	ssyncset.done $0x0  }
0xc3: {  	[sflag:s6] =	ssyncadd.s32 $0xFFFFC000  }
0xc4: {  	[tilespmem:s12], [sflag:$0x4] =	stream.indirect.gather [hbm4b:s4+s18], $0x80, s22, s18, $0xb8;
	[tilespmem:$0x1C600] =	vst v63  }
0xc5: {  	s0 =	rddreg [dreg:$0xa]  }
0xc6: {  	[hbm4b:s0+s2] =	stream.linear.scatter [tilespmem:s11], [sflag:$0x5], $0x4000, $0x38;
	[tilespmem:$0x1C600] =	vst v63  }
0xc7: {  	_ =	swait.ge [sflag:s17], $0x4000  }
0xc8: {  	[sflag:s17] =	ssyncset.done $0x0  }
0xc9: {  	[sflag:s17] =	ssyncadd.s32 $0xFFFFC000  }
0xca: {  	_ =	swait.ge [sflag:s10], $0x4000  }
0xcb: {  	[sflag:s10] =	ssyncset.done $0x0  }
0xcc: {  	[sflag:s10] =	ssyncadd.s32 $0xFFFFC000  }
0xcd: {  	[tilespmem:s11], [sflag:$0x5] =	stream.indirect.gather [hbm4b:s3+s18], $0x80, s21, s18, $0xb8;
	[tilespmem:$0x1C600] =	vst v63  }
0xce: {  	s0 =	rddreg [dreg:$0xb]  }
0xcf: {  	[hbm4b:s0+s2] =	stream.linear.scatter [tilespmem:s20], [sflag:$0x6], $0x4000, $0x38;
	[tilespmem:$0x1C600] =	vst v63  }
0xd0: {  	_ =	swait.ge [sflag:s15], $0x4000  }
0xd1: {  	[sflag:s15] =	ssyncset.done $0x0  }
0xd2: {  	s0 =	rddreg [dreg:$0xc];
	[sflag:s15] =	ssyncadd.s32 $0xFFFFC000  }
0xd3: {  	[hbm4b:s0+s2] =	stream.linear.scatter [tilespmem:s19], [sflag:$0x7], $0x4000, $0x38;
	[tilespmem:$0x1C600] =	vst v63  }
0xd4: {  	_ =	swait.ge [sflag:s8], $0x4000  }
0xd5: {  	[sflag:s8] =	ssyncset.done $0x0  }
0xd6: {  	s0 =	rddreg [dreg:$0xd];
	[sflag:s8] =	ssyncadd.s32 $0xFFFFC000  }
0xd7: {  	[hbm4b:s0+s2] =	stream.linear.scatter [tilespmem:s16], [sflag:$0x1], $0x4000, $0x38;
	[tilespmem:$0x1C600] =	vst v63  }
0xd8: {  	_ =	swait.ge [sflag:s9], $0x4000  }
0xd9: {  	[sflag:s9] =	ssyncset.done $0x0  }
0xda: {  	s0 =	rddreg [dreg:$0xe];
	[sflag:s9] =	ssyncadd.s32 $0xFFFFC000  }
0xdb: {  	[hbm4b:s0+s2] =	stream.linear.scatter [tilespmem:s14], [sflag:$0x2], $0x4000, $0x38;
	[tilespmem:$0x1C600] =	vst v63  }
0xdc: {  	_ =	swait.ge [sflag:s7], $0x4000  }
0xdd: {  	[sflag:s7] =	ssyncset.done $0x0  }
0xde: {  	s0 =	rddreg [dreg:$0xf];
	[sflag:s7] =	ssyncadd.s32 $0xFFFFC000  }
0xdf: {  	[hbm4b:s0+s2] =	stream.linear.scatter [tilespmem:s13], [sflag:$0x3], $0x4000, $0x38;
	[tilespmem:$0x1C600] =	vst v63  }
0xe0: {  	_ =	swait.ge [sflag:s6], $0x4000  }
0xe1: {  	[sflag:s6] =	ssyncset.done $0x0  }
0xe2: {  	s0 =	rddreg [dreg:$0x10];
	[sflag:s6] =	ssyncadd.s32 $0xFFFFC000  }
0xe3: {  	[hbm4b:s0+s2] =	stream.linear.scatter [tilespmem:s12], [sflag:$0x4], $0x4000, $0x38;
	[tilespmem:$0x1C600] =	vst v63  }
0xe4: {  	_ =	swait.ge [sflag:s10], $0x4000  }
0xe5: {  	[sflag:s10] =	ssyncset.done $0x0  }
0xe6: {  	s0 =	rddreg [dreg:$0x11];
	[sflag:s10] =	ssyncadd.s32 $0xFFFFC000  }
0xe7: {  	[hbm4b:s0+s2] =	stream.linear.scatter [tilespmem:s11], [sflag:$0x5], $0x4000, $0x38;
	[tilespmem:$0x1C600] =	vst v63  }
0xe8: {  	_ =	swait.ge [sflag:s17], $0x4000  }
0xe9: {  	[sflag:s17] =	ssyncset.done $0x0  }
0xea: {  	[sflag:s17] =	ssyncadd.s32 $0xFFFFC000  }
0xeb: {  	_ =	swait.ge [sflag:s15], $0x4000  }
0xec: {  	[sflag:s15] =	ssyncset.done $0x0  }
0xed: {  	[sflag:s15] =	ssyncadd.s32 $0xFFFFC000  }
0xee: {  	_ =	swait.ge [sflag:s8], $0x4000  }
0xef: {  	[sflag:s8] =	ssyncset.done $0x0  }
0xf0: {  	[sflag:s8] =	ssyncadd.s32 $0xFFFFC000  }
0xf1: {  	_ =	swait.ge [sflag:s9], $0x4000  }
0xf2: {  	[sflag:s9] =	ssyncset.done $0x0  }
0xf3: {  	[sflag:s9] =	ssyncadd.s32 $0xFFFFC000  }
0xf4: {  	_ =	swait.ge [sflag:s7], $0x4000  }
0xf5: {  	[sflag:s7] =	ssyncset.done $0x0  }
0xf6: {  	p1 =	sne.s32 s1, $0x1;
	[sflag:s7] =	ssyncadd.s32 $0xFFFFC000  }
.Ltmp2:
0xf7: {  	_ =	swait.ge [sflag:s6], $0x4000;
	(pc) =	sbr.rel @p1 .LBB2_2-.Ltmp2, $4  }
0xf8: {  	[sflag:s6] =	ssyncset.done $0x0  }
0xf9: {  	[sflag:s6] =	ssyncadd.s32 $0xFFFFC000  }
0xfa: {  	_ =	swait.ge [sflag:s10], $0x4000  }
0xfb: {  	s1 =	sadd.s32 $0xFFFFFFFF, s1;
	s0 =	rddreg [dreg:$0x5];
	[sflag:s10] =	ssyncset.done $0x0  }
.LBB2_3:
0xfc: {  	[sflag:s10] =	ssyncadd.s32 @p0 $0xFFFFC000  }
0xfd: {  	[tilespmem:s2], [sflag:$0x8] =	stream.strided.gather [hbm4b:s0+s18], $0x600, s26, s18, $0x38;
	[tilespmem:$0x1C600] =	vst v63  }
0xfe: {  	_ =	swait.ge [sflag:s28], $0x600  }
0xff: {  	[sflag:s28] =	ssyncset.done $0x0  }
0x100: {  	[sflag:s28] =	ssyncadd.s32 $0xFFFFFA00  }
0x101: {  	[tilespmem:s16], [sflag:$0x1] =	stream.indirect.gather [hbm4b:s5+s18], $0x80, s2, s18, $0xb8;
	[tilespmem:$0x1C600] =	vst v63  }
0x102: {  	s1 =	rddreg [dreg:$0x12]  }
0x103: {  	[tilespmem:s14], [sflag:$0x2] =	stream.indirect.gather [hbm4b:s4+s18], $0x80, s1, s18, $0xb8;
	[tilespmem:$0x1C600] =	vst v63  }
0x104: {  	_ = 	snop  }
0x105: {  	[tilespmem:s13], [sflag:$0x3] =	stream.indirect.gather [hbm4b:s3+s18], $0x80, s26, s18, $0xb8;
	[tilespmem:$0x1C600] =	vst v63  }
0x106: {  	_ = 	snop  }
0x107: {  	[tilespmem:s12], [sflag:$0x4] =	stream.indirect.gather [hbm4b:s5+s18], $0x80, s18, s18, $0xb8;
	[tilespmem:$0x1C600] =	vst v63  }
0x108: {  	_ = 	snop  }
0x109: {  	[tilespmem:s11], [sflag:$0x5] =	stream.indirect.gather [hbm4b:s4+s18], $0x80, s30, s18, $0xb8;
	[tilespmem:$0x1C600] =	vst v63  }
0x10a: {  	_ = 	snop  }
0x10b: {  	[tilespmem:s20], [sflag:$0x6] =	stream.indirect.gather [hbm4b:s3+s18], $0x80, s31, s18, $0xb8;
	[tilespmem:$0x1C600] =	vst v63  }
0x10c: {  	_ =	swait.ge [sflag:s8], $0x4000  }
0x10d: {  	[sflag:s8] =	ssyncset.done $0x0  }
0x10e: {  	[sflag:s8] =	ssyncadd.s32 $0xFFFFC000  }
0x10f: {  	[tilespmem:s19], [sflag:$0x7] =	stream.indirect.gather [hbm4b:s5+s18], $0x80, s29, s18, $0xb8;
	[tilespmem:$0x1C600] =	vst v63  }
0x110: {  	s28 =	rddreg [dreg:$0x6]  }
0x111: {  	[hbm4b:s28+s2] =	stream.linear.scatter [tilespmem:s16], [sflag:$0x1], $0x4000, $0x38;
	[tilespmem:$0x1C600] =	vst v63  }
0x112: {  	_ =	swait.ge [sflag:s9], $0x4000  }
0x113: {  	[sflag:s9] =	ssyncset.done $0x0  }
0x114: {  	[sflag:s9] =	ssyncadd.s32 $0xFFFFC000  }
0x115: {  	_ =	swait.ge [sflag:s8], $0x4000  }
0x116: {  	[sflag:s8] =	ssyncset.done $0x0  }
0x117: {  	[sflag:s8] =	ssyncadd.s32 $0xFFFFC000  }
0x118: {  	[tilespmem:s16], [sflag:$0x1] =	stream.indirect.gather [hbm4b:s4+s18], $0x80, s25, s18, $0xb8;
	[tilespmem:$0x1C600] =	vst v63  }
0x119: {  	s30 =	rddreg [dreg:$0x7]  }
0x11a: {  	[hbm4b:s30+s2] =	stream.linear.scatter [tilespmem:s14], [sflag:$0x2], $0x4000, $0x38;
	[tilespmem:$0x1C600] =	vst v63  }
0x11b: {  	_ =	swait.ge [sflag:s7], $0x4000  }
0x11c: {  	[sflag:s7] =	ssyncset.done $0x0  }
0x11d: {  	[sflag:s7] =	ssyncadd.s32 $0xFFFFC000  }
0x11e: {  	_ =	swait.ge [sflag:s9], $0x4000  }
0x11f: {  	[sflag:s9] =	ssyncset.done $0x0  }
0x120: {  	[sflag:s9] =	ssyncadd.s32 $0xFFFFC000  }
0x121: {  	[tilespmem:s14], [sflag:$0x2] =	stream.indirect.gather [hbm4b:s3+s18], $0x80, s24, s18, $0xb8;
	[tilespmem:$0x1C600] =	vst v63  }
0x122: {  	s31 =	rddreg [dreg:$0x8]  }
0x123: {  	[hbm4b:s31+s2] =	stream.linear.scatter [tilespmem:s13], [sflag:$0x3], $0x4000, $0x38;
	[tilespmem:$0x1C600] =	vst v63  }
0x124: {  	_ =	swait.ge [sflag:s6], $0x4000  }
0x125: {  	[sflag:s6] =	ssyncset.done $0x0  }
0x126: {  	[sflag:s6] =	ssyncadd.s32 $0xFFFFC000  }
0x127: {  	_ =	swait.ge [sflag:s7], $0x4000  }
0x128: {  	[sflag:s7] =	ssyncset.done $0x0  }
0x129: {  	[sflag:s7] =	ssyncadd.s32 $0xFFFFC000  }
0x12a: {  	[tilespmem:s13], [sflag:$0x3] =	stream.indirect.gather [hbm4b:s5+s18], $0x80, s23, s18, $0xb8;
	[tilespmem:$0x1C600] =	vst v63  }
0x12b: {  	s1 =	rddreg [dreg:$0x9]  }
0x12c: {  	[hbm4b:s1+s2] =	stream.linear.scatter [tilespmem:s12], [sflag:$0x4], $0x4000, $0x38;
	[tilespmem:$0x1C600] =	vst v63  }
0x12d: {  	_ =	swait.ge [sflag:s10], $0x4000  }
0x12e: {  	[sflag:s10] =	ssyncset.done $0x0  }
0x12f: {  	[sflag:s10] =	ssyncadd.s32 $0xFFFFC000  }
0x130: {  	_ =	swait.ge [sflag:s6], $0x4000  }
0x131: {  	[sflag:s6] =	ssyncset.done $0x0  }
0x132: {  	[sflag:s6] =	ssyncadd.s32 $0xFFFFC000  }
0x133: {  	[tilespmem:s12], [sflag:$0x4] =	stream.indirect.gather [hbm4b:s4+s18], $0x80, s22, s18, $0xb8;
	[tilespmem:$0x1C600] =	vst v63  }
0x134: {  	s5 =	rddreg [dreg:$0xa]  }
0x135: {  	[hbm4b:s5+s2] =	stream.linear.scatter [tilespmem:s11], [sflag:$0x5], $0x4000, $0x38;
	[tilespmem:$0x1C600] =	vst v63  }
0x136: {  	_ =	swait.ge [sflag:s17], $0x4000  }
0x137: {  	[sflag:s17] =	ssyncset.done $0x0  }
0x138: {  	[sflag:s17] =	ssyncadd.s32 $0xFFFFC000  }
0x139: {  	_ =	swait.ge [sflag:s10], $0x4000  }
0x13a: {  	[sflag:s10] =	ssyncset.done $0x0  }
0x13b: {  	[sflag:s10] =	ssyncadd.s32 $0xFFFFC000  }
0x13c: {  	[tilespmem:s11], [sflag:$0x5] =	stream.indirect.gather [hbm4b:s3+s18], $0x80, s21, s18, $0xb8;
	[tilespmem:$0x1C600] =	vst v63  }
0x13d: {  	s23 =	rddreg [dreg:$0xb]  }
0x13e: {  	[hbm4b:s23+s2] =	stream.linear.scatter [tilespmem:s20], [sflag:$0x6], $0x4000, $0x38;
	[tilespmem:$0x1C600] =	vst v63  }
0x13f: {  	_ =	swait.ge [sflag:s15], $0x4000  }
0x140: {  	[sflag:s15] =	ssyncset.done $0x0  }
0x141: {  	s24 =	rddreg [dreg:$0xc];
	[sflag:s15] =	ssyncadd.s32 $0xFFFFC000  }
0x142: {  	[hbm4b:s24+s2] =	stream.linear.scatter [tilespmem:s19], [sflag:$0x7], $0x4000, $0x38;
	[tilespmem:$0x1C600] =	vst v63  }
0x143: {  	_ =	swait.ge [sflag:s8], $0x4000  }
0x144: {  	[sflag:s8] =	ssyncset.done $0x0  }
0x145: {  	s25 =	rddreg [dreg:$0xd];
	[sflag:s8] =	ssyncadd.s32 $0xFFFFC000  }
0x146: {  	[hbm4b:s25+s2] =	stream.linear.scatter [tilespmem:s16], [sflag:$0x1], $0x4000, $0x38;
	[tilespmem:$0x1C600] =	vst v63  }
0x147: {  	_ =	swait.ge [sflag:s9], $0x4000  }
0x148: {  	[sflag:s9] =	ssyncset.done $0x0  }
0x149: {  	s26 =	rddreg [dreg:$0xe];
	[sflag:s9] =	ssyncadd.s32 $0xFFFFC000  }
0x14a: {  	[hbm4b:s26+s2] =	stream.linear.scatter [tilespmem:s14], [sflag:$0x2], $0x4000, $0x38;
	[tilespmem:$0x1C600] =	vst v63  }
0x14b: {  	_ =	swait.ge [sflag:s7], $0x4000  }
0x14c: {  	[sflag:s7] =	ssyncset.done $0x0  }
0x14d: {  	s28 =	rddreg [dreg:$0xf];
	[sflag:s7] =	ssyncadd.s32 $0xFFFFC000  }
0x14e: {  	[hbm4b:s28+s2] =	stream.linear.scatter [tilespmem:s13], [sflag:$0x3], $0x4000, $0x38;
	[tilespmem:$0x1C600] =	vst v63  }
0x14f: {  	_ =	swait.ge [sflag:s6], $0x4000  }
0x150: {  	[sflag:s6] =	ssyncset.done $0x0  }
0x151: {  	s29 =	rddreg [dreg:$0x10];
	[sflag:s6] =	ssyncadd.s32 $0xFFFFC000  }
0x152: {  	[hbm4b:s29+s2] =	stream.linear.scatter [tilespmem:s12], [sflag:$0x4], $0x4000, $0x38;
	[tilespmem:$0x1C600] =	vst v63  }
0x153: {  	_ =	swait.ge [sflag:s10], $0x4000  }
0x154: {  	[sflag:s10] =	ssyncset.done $0x0  }
0x155: {  	s30 =	rddreg [dreg:$0x11];
	[sflag:s10] =	ssyncadd.s32 $0xFFFFC000  }
0x156: {  	[hbm4b:s30+s2] =	stream.linear.scatter [tilespmem:s11], [sflag:$0x5], $0x4000, $0x38;
	[tilespmem:$0x1C600] =	vst v63  }
0x157: {  	_ =	swait.ge [sflag:s17], $0x4000  }
0x158: {  	[sflag:s17] =	ssyncset.done $0x0  }
0x159: {  	[sflag:s17] =	ssyncadd.s32 $0xFFFFC000  }
0x15a: {  	_ =	swait.ge [sflag:s15], $0x4000  }
0x15b: {  	[sflag:s15] =	ssyncset.done $0x0  }
0x15c: {  	[sflag:s15] =	ssyncadd.s32 $0xFFFFC000  }
0x15d: {  	_ =	swait.ge [sflag:s8], $0x4000  }
0x15e: {  	[sflag:s8] =	ssyncset.done $0x0  }
0x15f: {  	[sflag:s8] =	ssyncadd.s32 $0xFFFFC000  }
0x160: {  	_ =	swait.ge [sflag:s9], $0x4000  }
0x161: {  	[sflag:s9] =	ssyncset.done $0x0  }
0x162: {  	[sflag:s9] =	ssyncadd.s32 $0xFFFFC000  }
0x163: {  	_ =	swait.ge [sflag:s7], $0x4000  }
0x164: {  	[sflag:s7] =	ssyncset.done $0x0  }
0x165: {  	[sflag:s7] =	ssyncadd.s32 $0xFFFFC000  }
0x166: {  	_ =	swait.ge [sflag:s6], $0x4000  }
0x167: {  	[sflag:s6] =	ssyncset.done $0x0  }
0x168: {  	[sflag:s6] =	ssyncadd.s32 $0xFFFFC000  }
0x169: {  	_ =	swait.ge [sflag:s10], $0x4000  }
0x16a: {  	[sflag:s10] =	ssyncset.done $0x0  }
0x16b: {  	[sflag:s10] =	ssyncadd.s32 $0xFFFFC000  }
0x16c: {  	_ =	sfence.sel $0x180000  }
0x16d: {  	[bflag:$0x0] =	sbarrier.arrive $0xFFFF  }
0x16e: {  	_ =	strace $0x90000047  }
0x16f: {  	s31 =	stileid.u32;
	[bflag:$0x2] =	sbarrier.arrive $0xFFFF  }
0x170: {  	p0 =	sne.s32 s31, $0x0;
	s0 =	rddreg [dreg:$0x4]  }
0x171: {  	s0 =	sadd.s32 @!p0 $0x100000, s0  }
0x172: {  	[sflag:s0] =	ssyncadd.tile.s32 @!p0 $0x1;
	_ =	shalt  }
.Lfunc_end2:
_tile_overlayer_lowered:
.L_overlay_start_2:
0x173: {  	(tag) =	ssettag $0x2  }
0x174: {  	s0 =	rddreg [dreg:$0x0];
	s2 =	stileid.u32  }
0x175: {  	s1 =	rddreg [dreg:$0x1];
	p0 =	sne.s32 s2, $0x0  }
0x176: {  	s3 =	rddreg [dreg:$0x2];
	[bflag:$0x3] =	sbarrier.arrive $0xFFFF;
	s2 =	simm.s32 @!p0 $0x1C08  }
0x177: {  	[timem:s3], [sflag:s2] =	dma.local @!p0 [hbm:s0], s1  }
0x178: {  	s0 =	simm.s32 @!p0 $0x8  }
0x179: {  	_ =	swait.ge @!p0 [sflag:s0], s1  }
0x17a: {  	s1 =	ssub.s32 @!p0 $0x0, s1;
	[sflag:s0] =	ssyncset.done @!p0 $0x0  }
0x17b: {  	[sflag:s0] =	ssyncadd.s32 @!p0 s1  }
0x17c: {  	[bflag:$0x3] =	sbarrier.arrive $0xFFFF  }
0x17d: {  	_ =	shalt  }

</sc_bundles>
